<compile_context>
chip_gen: v7x
topology: tpu7x:2x2x1
jax: 0.10.2.dev20260603
libtpu: 0.0.44.dev20260713+nightly
codegen_flags: <defaults>
</compile_context>

<pallas_src>
import functools
import jax
import jax.numpy as jnp
from jax import lax
from jax.experimental import pallas as pl
from jax.experimental.pallas import tpu as pltpu
from jax.experimental.pallas import tpu_sc as plsc

N = 10000
D = 128
E = 320000
NC = 2
NS = 16
NW = NC * NS
CH = 128
EP = 327680
EPT = EP // NW
NCHUNK = EPT // CH
NP = 10240
RPT = NP // NS
L = 16


def _sc_body(with_deg, *refs):
    if with_deg:
        (y_hbm, src_hbm, dst_hbm, z_hbm, out_hbm, deg_hbm,
         src_a, dst_a, src_b, dst_b, rows_a, rows_b, degt_v,
         acc_sh, sema, semb) = refs
    else:
        (y_hbm, src_hbm, dst_hbm, z_hbm, out_hbm,
         src_a, dst_a, src_b, dst_b, rows_a, rows_b,
         acc_sh, sema, semb) = refs
    rows_v = rows_a

    c = lax.axis_index("c")
    s = lax.axis_index("s")
    wid = s * NC + c

    def zc(q, _):
        r = s * RPT + q * CH
        pltpu.sync_copy(z_hbm.at[pl.ds(r, CH)], rows_v)
        pltpu.sync_copy(rows_v, acc_sh.at[pl.ds(r, CH)])
        return ()
    lax.fori_loop(0, RPT // CH, zc, ())

    if with_deg:
        zv = jnp.zeros((L,), jnp.float32)

        def zd(q, _):
            degt_v[pl.ds(q * L, L)] = zv
            return ()
        lax.fori_loop(0, NP // L, zd, ())
    plsc.subcore_barrier()

    base = wid * EPT
    if with_deg:
        onev = jnp.ones((L,), jnp.float32)

    def load_idx(o, sv, dv):
        pltpu.sync_copy(src_hbm.at[pl.ds(o, CH)], sv)
        pltpu.sync_copy(dst_hbm.at[pl.ds(o, CH)], dv)

    def bump_deg(dv):
        if with_deg:
            for k in range(CH // L):
                plsc.addupdate_scatter(degt_v, [dv[pl.ds(k * L, L)]], onev)

    load_idx(base, src_a, dst_a)
    pltpu.async_copy(y_hbm.at[src_a], rows_a, sema)

    def pair(j, _):
        o1 = base + (2 * j + 1) * CH
        load_idx(o1, src_b, dst_b)
        pltpu.async_copy(y_hbm.at[src_b], rows_b, semb)
        pltpu.make_async_copy(y_hbm.at[src_a], rows_a, sema).wait()
        pltpu.sync_copy(rows_a, acc_sh.at[dst_a], add=True)
        bump_deg(dst_a)
        o2 = base + (2 * j + 2) * CH
        load_idx(o2, src_a, dst_a)
        pltpu.async_copy(y_hbm.at[src_a], rows_a, sema)
        pltpu.make_async_copy(y_hbm.at[src_b], rows_b, semb).wait()
        pltpu.sync_copy(rows_b, acc_sh.at[dst_b], add=True)
        bump_deg(dst_b)
        return ()

    lax.fori_loop(0, NCHUNK // 2 - 1, pair, ())
    o1 = base + (NCHUNK - 1) * CH
    load_idx(o1, src_b, dst_b)
    pltpu.async_copy(y_hbm.at[src_b], rows_b, semb)
    pltpu.make_async_copy(y_hbm.at[src_a], rows_a, sema).wait()
    pltpu.sync_copy(rows_a, acc_sh.at[dst_a], add=True)
    bump_deg(dst_a)
    pltpu.make_async_copy(y_hbm.at[src_b], rows_b, semb).wait()
    pltpu.sync_copy(rows_b, acc_sh.at[dst_b], add=True)
    bump_deg(dst_b)
    plsc.subcore_barrier()

    def oc(q, _):
        r = s * RPT + q * CH
        pltpu.sync_copy(acc_sh.at[pl.ds(r, CH)], rows_v)
        pltpu.sync_copy(rows_v, out_hbm.at[pl.ds(c * NP + r, CH)])
        return ()
    lax.fori_loop(0, RPT // CH, oc, ())
    if with_deg:
        pltpu.sync_copy(degt_v, deg_hbm.at[wid])


def _make_sc_agg(with_deg):
    mesh = plsc.VectorSubcoreMesh(core_axis_name="c", subcore_axis_name="s")
    if with_deg:
        out_type = (jax.ShapeDtypeStruct((NC * NP, D), jnp.float32),
                    jax.ShapeDtypeStruct((NW, NP), jnp.float32))
    else:
        out_type = jax.ShapeDtypeStruct((NC * NP, D), jnp.float32)
    scratch = [
        pltpu.VMEM((CH,), jnp.int32),
        pltpu.VMEM((CH,), jnp.int32),
        pltpu.VMEM((CH,), jnp.int32),
        pltpu.VMEM((CH,), jnp.int32),
        pltpu.VMEM((CH, D), jnp.float32),
        pltpu.VMEM((CH, D), jnp.float32),
    ]
    if with_deg:
        scratch.append(pltpu.VMEM((NP,), jnp.float32))
    scratch.append(pltpu.VMEM_SHARED((NP, D), jnp.float32))
    scratch.append(pltpu.SemaphoreType.DMA)
    scratch.append(pltpu.SemaphoreType.DMA)
    return pl.kernel(
        functools.partial(_sc_body, with_deg),
        out_type=out_type,
        mesh=mesh,
        scratch_types=scratch,
        compiler_params=pltpu.CompilerParams(needs_layout_passes=False),
    )



BN = 1000


def _tc_pre_body(x_ref, wn_ref, ws_ref, b_ref, y_ref, s_ref):
    x = x_ref[...]
    y_ref[...] = jnp.dot(x, wn_ref[...], preferred_element_type=jnp.float32)
    s_ref[...] = (jnp.dot(x, ws_ref[...], preferred_element_type=jnp.float32)
                  + b_ref[...])


def _tc_mid_body(s1_ref, a0_ref, a1_ref, dp_ref, wn_ref, ws_ref, b_ref,
                 y_ref, s_ref, i_ref):
    deg = jnp.sum(dp_ref[...], axis=1)[:, None]
    inv = 1.0 / jnp.maximum(deg, 1.0)
    h = jnp.maximum(s1_ref[...] + (a0_ref[...] + a1_ref[...]) * inv, 0.0)
    y_ref[...] = jnp.dot(h, wn_ref[...], preferred_element_type=jnp.float32)
    s_ref[...] = (jnp.dot(h, ws_ref[...], preferred_element_type=jnp.float32)
                  + b_ref[...])
    i_ref[...] = jnp.broadcast_to(inv, (BN, D))


def _tc_post_body(s2_ref, a0_ref, a1_ref, i_ref, out_ref):
    out_ref[...] = s2_ref[...] + (a0_ref[...] + a1_ref[...]) * i_ref[...]


def _row_spec(cols):
    return pl.BlockSpec((BN, cols), lambda i: (i, 0))


def _full_spec(shape):
    return pl.BlockSpec(shape, lambda i: tuple(0 for _ in shape))


_tc_pre = pl.pallas_call(
    _tc_pre_body,
    grid=(N // BN,),
    in_specs=[_row_spec(D), _full_spec((D, D)), _full_spec((D, D)),
              _full_spec((1, D))],
    out_specs=[_row_spec(D), _row_spec(D)],
    out_shape=[jax.ShapeDtypeStruct((N, D), jnp.float32),
               jax.ShapeDtypeStruct((N, D), jnp.float32)],
)

_tc_mid = pl.pallas_call(
    _tc_mid_body,
    grid=(N // BN,),
    in_specs=[_row_spec(D), _row_spec(D), _row_spec(D),
              pl.BlockSpec((BN, NW), lambda i: (i, 0)),
              _full_spec((D, D)), _full_spec((D, D)), _full_spec((1, D))],
    out_specs=[_row_spec(D), _row_spec(D), _row_spec(D)],
    out_shape=[jax.ShapeDtypeStruct((N, D), jnp.float32),
               jax.ShapeDtypeStruct((N, D), jnp.float32),
               jax.ShapeDtypeStruct((N, D), jnp.float32)],
)

_tc_post = pl.pallas_call(
    _tc_post_body,
    grid=(N // BN,),
    in_specs=[_row_spec(D), _row_spec(D), _row_spec(D), _row_spec(D)],
    out_specs=_row_spec(D),
    out_shape=jax.ShapeDtypeStruct((N, D), jnp.float32),
)

_sc_agg_deg = _make_sc_agg(True)
_sc_agg = _make_sc_agg(False)


@jax.jit
def kernel(in_feat, edge_index, W_self1, W_neigh1, b1, W_self2, W_neigh2, b2):
    pad = EP - E
    src = jnp.concatenate(
        [edge_index[0].astype(jnp.int32), jnp.zeros((pad,), jnp.int32)])
    dst = jnp.concatenate(
        [edge_index[1].astype(jnp.int32), jnp.full((pad,), N, jnp.int32)])
    znd = jnp.zeros((NP, D), jnp.float32)

    y1, s1 = _tc_pre(in_feat, W_neigh1, W_self1, b1.reshape(1, D))
    agg1, degp = _sc_agg_deg(y1, src, dst, znd)
    y2, s2, inv = _tc_mid(s1, agg1[:N], agg1[NP:NP + N], degp.T,
                          W_neigh2, W_self2, b2.reshape(1, D))
    agg2 = _sc_agg(y2, src, dst, znd)
    return _tc_post(s2, agg2[:N], agg2[NP:NP + N], inv)

# --- scband reference (transcript-rebuilt; emitter-appended) ---
"""Pipeline reference for scband-graph-sage-77584289235644 (READ-ONLY COPY).

The authoritative reference and input builder live on the scoring server;
editing this copy changes nothing except your own understanding.
"""

import jax, jax.numpy as jnp
import numpy as np

N_NODES = 10000
N_EDGES = 320000
D_IN = 128
D_H = 128
D_OUT = 128


def setup_inputs(seed: int = 0) -> dict:
    key = jax.random.key(seed)
    ks = jax.random.split(key, 9)
    in_feat = jax.random.normal(ks[0], (N_NODES, D_IN), dtype=jnp.float32)
    edge_index = jax.random.randint(ks[1], (2, N_EDGES), 0, N_NODES, dtype=jnp.int64)
    s1 = 1.0 / np.sqrt(D_IN)
    s2 = 1.0 / np.sqrt(D_H)
    W_self1 = jax.random.uniform(ks[2], (D_IN, D_H), jnp.float32, -s1, s1)
    W_neigh1 = jax.random.uniform(ks[3], (D_IN, D_H), jnp.float32, -s1, s1)
    b1 = jnp.zeros((D_H,), jnp.float32)
    W_self2 = jax.random.uniform(ks[4], (D_H, D_OUT), jnp.float32, -s2, s2)
    W_neigh2 = jax.random.uniform(ks[5], (D_H, D_OUT), jnp.float32, -s2, s2)
    b2 = jnp.zeros((D_OUT,), jnp.float32)
    return {"in_feat": in_feat, "edge_index": edge_index,
            "W_self1": W_self1, "W_neigh1": W_neigh1, "b1": b1,
            "W_self2": W_self2, "W_neigh2": W_neigh2, "b2": b2}


def _sage_mean(x, src, dst, n_nodes, W_self, W_neigh, b):
    # DGL SAGEConv with 'mean' aggregator:
    # h_i = W_self x_i + W_neigh * mean_{j in N(i)} x_j + b
    msg = jnp.take(x, src, axis=0)
    agg = jax.ops.segment_sum(msg, dst, num_segments=n_nodes)
    deg = jax.ops.segment_sum(jnp.ones((src.shape[0],), x.dtype), dst, num_segments=n_nodes)
    mean = agg / jnp.maximum(deg, 1.0)[:, None]
    return x @ W_self + mean @ W_neigh + b


def reference(in_feat, edge_index, W_self1, W_neigh1, b1, W_self2, W_neigh2, b2):
    src = edge_index[0]
    dst = edge_index[1]
    n = in_feat.shape[0]
    h = _sage_mean(in_feat, src, dst, n, W_self1, W_neigh1, b1)
    h = jax.nn.relu(h)
    out = _sage_mean(h, src, dst, n, W_self2, W_neigh2, b2)
    return out

if __name__ == "__main__":
    import jax
    _d = setup_inputs()
    print(jax.jit(kernel)(*tuple(_d.values())))

</pallas_src>

<mosaic_0001>
#map = affine_map<(d0, d1) -> (0, 0)>
#map1 = affine_map<(d0, d1) -> (0)>
module attributes {stable_mosaic.version = 14 : i64} {
  func.func @_sc_body(%arg0: i32, %arg1: i32, %arg2: memref<10000x128xf32, #tpu.memory_space<hbm>>, %arg3: memref<327680xi32, #tpu.memory_space<hbm>>, %arg4: memref<327680xi32, #tpu.memory_space<hbm>>, %arg5: memref<10240x128xf32, #tpu.memory_space<hbm>>, %arg6: memref<20480x128xf32, #tpu.memory_space<hbm>>, %arg7: memref<128xi32, #tpu.memory_space<vmem>>, %arg8: memref<128xi32, #tpu.memory_space<vmem>>, %arg9: memref<128xi32, #tpu.memory_space<vmem>>, %arg10: memref<128xi32, #tpu.memory_space<vmem>>, %arg11: memref<128x128xf32, #tpu.memory_space<vmem>>, %arg12: memref<128x128xf32, #tpu.memory_space<vmem>>, %arg13: memref<10240x128xf32, #tpu.memory_space<vmem_shared>>, %arg14: memref<!tpu.dma_semaphore, #tpu.memory_space<semaphore_mem>>, %arg15: memref<!tpu.dma_semaphore, #tpu.memory_space<semaphore_mem>>) attributes {dimension_semantics = [#tpu.dimension_semantics<core_parallel>, #tpu.dimension_semantics<subcore_parallel>], iteration_bounds = array<i64: 2, 16>, scalar_prefetch = 0 : i64, scratch_operands = 9 : i64, tpu.core_type = #tpu.core_type<sc_vector_subcore>, window_params = [{transform_indices = #map}, {transform_indices = #map1}, {transform_indices = #map1}, {transform_indices = #map}, {transform_indices = #map}]} {
    %mul3A = arith.constant 2 : i32
    %mul3A_0 = arith.muli %arg1, %mul3A : i32
    %add3A = arith.addi %mul3A_0, %arg0 : i32
    %scan3A = arith.constant 0 : i32
    %scan3A_1 = arith.constant 5 : i32
    %scan3A_2 = arith.addi %scan3A, %scan3A_1 : i32
    %scan3A_3 = arith.constant 1 : i32
    scf.for %scan3A_30 = %scan3A to %scan3A_2 step %scan3A_3  : i32 {
      %mul3A_31 = arith.constant 640 : i32
      %mul3A_32 = arith.muli %arg1, %mul3A_31 : i32
      %mul3A_33 = arith.constant 128 : i32
      %mul3A_34 = arith.muli %scan3A_30, %mul3A_33 : i32
      %add3A_35 = arith.addi %mul3A_32, %mul3A_34 : i32
      "tpu.region"() ({
        %run_scoped3A = tpu.sem_alloc : memref<!tpu.dma_semaphore, #tpu.memory_space<semaphore_mem>>
        %dma_start3A_36 = arith.constant 0 : i32
        %dma_start3A_37 = tpu.memref_slice %arg5[%add3A_35, %dma_start3A_36] : memref<10240x128xf32, #tpu.memory_space<hbm>> -> memref<128x128xf32, #tpu.memory_space<hbm>>
        %dma_start3A_38 = arith.constant 0 : i32
        %dma_start3A_39 = tpu.memref_slice %arg5[%add3A_35, %dma_start3A_38] : memref<10240x128xf32, #tpu.memory_space<hbm>> -> memref<128x128xf32, #tpu.memory_space<hbm>>
        tpu.enqueue_dma source(%dma_start3A_39 : memref<128x128xf32, #tpu.memory_space<hbm>>) target(%arg11 : memref<128x128xf32, #tpu.memory_space<vmem>>) target_semaphore(%run_scoped3A : memref<!tpu.dma_semaphore, #tpu.memory_space<semaphore_mem>>)
        %dma_wait3A_40 = arith.constant 0 : i32
        %dma_wait3A_41 = tpu.memref_slice %arg5[%add3A_35, %dma_wait3A_40] : memref<10240x128xf32, #tpu.memory_space<hbm>> -> memref<128x128xf32, #tpu.memory_space<hbm>>
        %dma_wait3A_42 = arith.constant 0 : i32
        %dma_wait3A_43 = tpu.memref_slice %arg5[%add3A_35, %dma_wait3A_42] : memref<10240x128xf32, #tpu.memory_space<hbm>> -> memref<128x128xf32, #tpu.memory_space<hbm>>
        tpu.wait_dma2 semaphore(%run_scoped3A : memref<!tpu.dma_semaphore, #tpu.memory_space<semaphore_mem>>) src(%dma_wait3A_43 : memref<128x128xf32, #tpu.memory_space<hbm>>) dst(%arg11 : memref<128x128xf32, #tpu.memory_space<vmem>>)
        tpu.yield
      }) : () -> ()
      "tpu.region"() ({
        %run_scoped3A = tpu.sem_alloc : memref<!tpu.dma_semaphore, #tpu.memory_space<semaphore_mem>>
        %dma_start3A_36 = arith.constant 0 : i32
        %dma_start3A_37 = tpu.memref_slice %arg13[%add3A_35, %dma_start3A_36] : memref<10240x128xf32, #tpu.memory_space<vmem_shared>> -> memref<128x128xf32, #tpu.memory_space<vmem_shared>>
        %dma_start3A_38 = arith.constant 0 : i32
        %dma_start3A_39 = tpu.memref_slice %arg13[%add3A_35, %dma_start3A_38] : memref<10240x128xf32, #tpu.memory_space<vmem_shared>> -> memref<128x128xf32, #tpu.memory_space<vmem_shared>>
        tpu.enqueue_dma source(%arg11 : memref<128x128xf32, #tpu.memory_space<vmem>>) target(%dma_start3A_39 : memref<128x128xf32, #tpu.memory_space<vmem_shared>>) target_semaphore(%run_scoped3A : memref<!tpu.dma_semaphore, #tpu.memory_space<semaphore_mem>>)
        %dma_wait3A_40 = arith.constant 0 : i32
        %dma_wait3A_41 = tpu.memref_slice %arg13[%add3A_35, %dma_wait3A_40] : memref<10240x128xf32, #tpu.memory_space<vmem_shared>> -> memref<128x128xf32, #tpu.memory_space<vmem_shared>>
        %dma_wait3A_42 = arith.constant 0 : i32
        %dma_wait3A_43 = tpu.memref_slice %arg13[%add3A_35, %dma_wait3A_42] : memref<10240x128xf32, #tpu.memory_space<vmem_shared>> -> memref<128x128xf32, #tpu.memory_space<vmem_shared>>
        tpu.wait_dma2 semaphore(%run_scoped3A : memref<!tpu.dma_semaphore, #tpu.memory_space<semaphore_mem>>) src(%arg11 : memref<128x128xf32, #tpu.memory_space<vmem>>) dst(%dma_wait3A_43 : memref<128x128xf32, #tpu.memory_space<vmem_shared>>)
        tpu.yield
      }) : () -> ()
    }
    %scan3A_4 = arith.constant 5 : i32
    %barrier3A = arith.constant 0 : index
    tpu.barrier barrier_id(%barrier3A)
    %mul3A_5 = arith.constant 10240 : i32
    %mul3A_6 = arith.muli %add3A, %mul3A_5 : i32
    "tpu.region"() ({
      %run_scoped3A = tpu.sem_alloc : memref<!tpu.dma_semaphore, #tpu.memory_space<semaphore_mem>>
      %dma_start3A_30 = tpu.memref_slice %arg3[%mul3A_6] : memref<327680xi32, #tpu.memory_space<hbm>> -> memref<128xi32, #tpu.memory_space<hbm>>
      %dma_start3A_31 = tpu.memref_slice %arg3[%mul3A_6] : memref<327680xi32, #tpu.memory_space<hbm>> -> memref<128xi32, #tpu.memory_space<hbm>>
      tpu.enqueue_dma source(%dma_start3A_31 : memref<128xi32, #tpu.memory_space<hbm>>) target(%arg7 : memref<128xi32, #tpu.memory_space<vmem>>) target_semaphore(%run_scoped3A : memref<!tpu.dma_semaphore, #tpu.memory_space<semaphore_mem>>)
      %dma_wait3A_32 = tpu.memref_slice %arg3[%mul3A_6] : memref<327680xi32, #tpu.memory_space<hbm>> -> memref<128xi32, #tpu.memory_space<hbm>>
      %dma_wait3A_33 = tpu.memref_slice %arg3[%mul3A_6] : memref<327680xi32, #tpu.memory_space<hbm>> -> memref<128xi32, #tpu.memory_space<hbm>>
      tpu.wait_dma2 semaphore(%run_scoped3A : memref<!tpu.dma_semaphore, #tpu.memory_space<semaphore_mem>>) src(%dma_wait3A_33 : memref<128xi32, #tpu.memory_space<hbm>>) dst(%arg7 : memref<128xi32, #tpu.memory_space<vmem>>)
      tpu.yield
    }) : () -> ()
    "tpu.region"() ({
      %run_scoped3A = tpu.sem_alloc : memref<!tpu.dma_semaphore, #tpu.memory_space<semaphore_mem>>
      %dma_start3A_30 = tpu.memref_slice %arg4[%mul3A_6] : memref<327680xi32, #tpu.memory_space<hbm>> -> memref<128xi32, #tpu.memory_space<hbm>>
      %dma_start3A_31 = tpu.memref_slice %arg4[%mul3A_6] : memref<327680xi32, #tpu.memory_space<hbm>> -> memref<128xi32, #tpu.memory_space<hbm>>
      tpu.enqueue_dma source(%dma_start3A_31 : memref<128xi32, #tpu.memory_space<hbm>>) target(%arg8 : memref<128xi32, #tpu.memory_space<vmem>>) target_semaphore(%run_scoped3A : memref<!tpu.dma_semaphore, #tpu.memory_space<semaphore_mem>>)
      %dma_wait3A_32 = tpu.memref_slice %arg4[%mul3A_6] : memref<327680xi32, #tpu.memory_space<hbm>> -> memref<128xi32, #tpu.memory_space<hbm>>
      %dma_wait3A_33 = tpu.memref_slice %arg4[%mul3A_6] : memref<327680xi32, #tpu.memory_space<hbm>> -> memref<128xi32, #tpu.memory_space<hbm>>
      tpu.wait_dma2 semaphore(%run_scoped3A : memref<!tpu.dma_semaphore, #tpu.memory_space<semaphore_mem>>) src(%dma_wait3A_33 : memref<128xi32, #tpu.memory_space<hbm>>) dst(%arg8 : memref<128xi32, #tpu.memory_space<vmem>>)
      tpu.yield
    }) : () -> ()
    %dma_start3A = arith.constant 0 : i32
    %dma_start3A_7 = arith.constant 0 : i32
    %dma_start3A_8 = tpu.memref_slice %arg2[%dma_start3A, %dma_start3A_7] : memref<10000x128xf32, #tpu.memory_space<hbm>> -> memref<10000x128xf32, #tpu.memory_space<hbm>>
    tpu.enqueue_indirect_dma source(%dma_start3A_8 : memref<10000x128xf32, #tpu.memory_space<hbm>>) target(%arg11 : memref<128x128xf32, #tpu.memory_space<vmem>>) offsets(%arg7 : memref<128xi32, #tpu.memory_space<vmem>>) semaphore(%arg14 : memref<!tpu.dma_semaphore, #tpu.memory_space<semaphore_mem>>)
    %scan3A_9 = arith.constant 0 : i32
    %scan3A_10 = arith.constant 39 : i32
    %scan3A_11 = arith.addi %scan3A_9, %scan3A_10 : i32
    %scan3A_12 = arith.constant 1 : i32
    scf.for %scan3A_30 = %scan3A_9 to %scan3A_11 step %scan3A_12  : i32 {
      %mul3A_31 = arith.constant 2 : i32
      %mul3A_32 = arith.muli %mul3A_31, %scan3A_30 : i32
      %add3A_33 = arith.constant 1 : i32
      %add3A_34 = arith.addi %mul3A_32, %add3A_33 : i32
      %mul3A_35 = arith.constant 128 : i32
      %mul3A_36 = arith.muli %add3A_34, %mul3A_35 : i32
      %add3A_37 = arith.addi %mul3A_6, %mul3A_36 : i32
      "tpu.region"() ({
        %run_scoped3A = tpu.sem_alloc : memref<!tpu.dma_semaphore, #tpu.memory_space<semaphore_mem>>
        %dma_start3A_57 = tpu.memref_slice %arg3[%add3A_37] : memref<327680xi32, #tpu.memory_space<hbm>> -> memref<128xi32, #tpu.memory_space<hbm>>
        %dma_start3A_58 = tpu.memref_slice %arg3[%add3A_37] : memref<327680xi32, #tpu.memory_space<hbm>> -> memref<128xi32, #tpu.memory_space<hbm>>
        tpu.enqueue_dma source(%dma_start3A_58 : memref<128xi32, #tpu.memory_space<hbm>>) target(%arg9 : memref<128xi32, #tpu.memory_space<vmem>>) target_semaphore(%run_scoped3A : memref<!tpu.dma_semaphore, #tpu.memory_space<semaphore_mem>>)
        %dma_wait3A_59 = tpu.memref_slice %arg3[%add3A_37] : memref<327680xi32, #tpu.memory_space<hbm>> -> memref<128xi32, #tpu.memory_space<hbm>>
        %dma_wait3A_60 = tpu.memref_slice %arg3[%add3A_37] : memref<327680xi32, #tpu.memory_space<hbm>> -> memref<128xi32, #tpu.memory_space<hbm>>
        tpu.wait_dma2 semaphore(%run_scoped3A : memref<!tpu.dma_semaphore, #tpu.memory_space<semaphore_mem>>) src(%dma_wait3A_60 : memref<128xi32, #tpu.memory_space<hbm>>) dst(%arg9 : memref<128xi32, #tpu.memory_space<vmem>>)
        tpu.yield
      }) : () -> ()
      "tpu.region"() ({
        %run_scoped3A = tpu.sem_alloc : memref<!tpu.dma_semaphore, #tpu.memory_space<semaphore_mem>>
        %dma_start3A_57 = tpu.memref_slice %arg4[%add3A_37] : memref<327680xi32, #tpu.memory_space<hbm>> -> memref<128xi32, #tpu.memory_space<hbm>>
        %dma_start3A_58 = tpu.memref_slice %arg4[%add3A_37] : memref<327680xi32, #tpu.memory_space<hbm>> -> memref<128xi32, #tpu.memory_space<hbm>>
        tpu.enqueue_dma source(%dma_start3A_58 : memref<128xi32, #tpu.memory_space<hbm>>) target(%arg10 : memref<128xi32, #tpu.memory_space<vmem>>) target_semaphore(%run_scoped3A : memref<!tpu.dma_semaphore, #tpu.memory_space<semaphore_mem>>)
        %dma_wait3A_59 = tpu.memref_slice %arg4[%add3A_37] : memref<327680xi32, #tpu.memory_space<hbm>> -> memref<128xi32, #tpu.memory_space<hbm>>
        %dma_wait3A_60 = tpu.memref_slice %arg4[%add3A_37] : memref<327680xi32, #tpu.memory_space<hbm>> -> memref<128xi32, #tpu.memory_space<hbm>>
        tpu.wait_dma2 semaphore(%run_scoped3A : memref<!tpu.dma_semaphore, #tpu.memory_space<semaphore_mem>>) src(%dma_wait3A_60 : memref<128xi32, #tpu.memory_space<hbm>>) dst(%arg10 : memref<128xi32, #tpu.memory_space<vmem>>)
        tpu.yield
      }) : () -> ()
      %dma_start3A_38 = arith.constant 0 : i32
      %dma_start3A_39 = arith.constant 0 : i32
      %dma_start3A_40 = tpu.memref_slice %arg2[%dma_start3A_38, %dma_start3A_39] : memref<10000x128xf32, #tpu.memory_space<hbm>> -> memref<10000x128xf32, #tpu.memory_space<hbm>>
      tpu.enqueue_indirect_dma source(%dma_start3A_40 : memref<10000x128xf32, #tpu.memory_space<hbm>>) target(%arg12 : memref<128x128xf32, #tpu.memory_space<vmem>>) offsets(%arg9 : memref<128xi32, #tpu.memory_space<vmem>>) semaphore(%arg15 : memref<!tpu.dma_semaphore, #tpu.memory_space<semaphore_mem>>)
      %dma_wait3A_41 = arith.constant 0 : i32
      %dma_wait3A_42 = arith.constant 0 : i32
      %dma_wait3A_43 = tpu.memref_slice %arg2[%dma_wait3A_41, %dma_wait3A_42] : memref<10000x128xf32, #tpu.memory_space<hbm>> -> memref<10000x128xf32, #tpu.memory_space<hbm>>
      tpu.wait_indirect_dma semaphore(%arg14 : memref<!tpu.dma_semaphore, #tpu.memory_space<semaphore_mem>>) src(%dma_wait3A_43 : memref<10000x128xf32, #tpu.memory_space<hbm>>) dst(%arg11 : memref<128x128xf32, #tpu.memory_space<vmem>>)
      "tpu.region"() ({
        %run_scoped3A = tpu.sem_alloc : memref<!tpu.dma_semaphore, #tpu.memory_space<semaphore_mem>>
        %dma_start3A_57 = arith.constant 0 : i32
        %dma_start3A_58 = arith.constant 0 : i32
        %dma_start3A_59 = tpu.memref_slice %arg13[%dma_start3A_57, %dma_start3A_58] : memref<10240x128xf32, #tpu.memory_space<vmem_shared>> -> memref<10240x128xf32, #tpu.memory_space<vmem_shared>>
        tpu.enqueue_indirect_dma source(%arg11 : memref<128x128xf32, #tpu.memory_space<vmem>>) target(%dma_start3A_59 : memref<10240x128xf32, #tpu.memory_space<vmem_shared>>) offsets(%arg8 : memref<128xi32, #tpu.memory_space<vmem>>) semaphore(%run_scoped3A : memref<!tpu.dma_semaphore, #tpu.memory_space<semaphore_mem>>) {add = true}
        %dma_wait3A_60 = arith.constant 0 : i32
        %dma_wait3A_61 = arith.constant 0 : i32
        %dma_wait3A_62 = tpu.memref_slice %arg13[%dma_wait3A_60, %dma_wait3A_61] : memref<10240x128xf32, #tpu.memory_space<vmem_shared>> -> memref<10240x128xf32, #tpu.memory_space<vmem_shared>>
        tpu.wait_indirect_dma semaphore(%run_scoped3A : memref<!tpu.dma_semaphore, #tpu.memory_space<semaphore_mem>>) src(%arg11 : memref<128x128xf32, #tpu.memory_space<vmem>>) dst(%dma_wait3A_62 : memref<10240x128xf32, #tpu.memory_space<vmem_shared>>)
        tpu.yield
      }) : () -> ()
      %mul3A_44 = arith.constant 2 : i32
      %mul3A_45 = arith.muli %mul3A_44, %scan3A_30 : i32
      %add3A_46 = arith.constant 2 : i32
      %add3A_47 = arith.addi %mul3A_45, %add3A_46 : i32
      %mul3A_48 = arith.constant 128 : i32
      %mul3A_49 = arith.muli %add3A_47, %mul3A_48 : i32
      %add3A_50 = arith.addi %mul3A_6, %mul3A_49 : i32
      "tpu.region"() ({
        %run_scoped3A = tpu.sem_alloc : memref<!tpu.dma_semaphore, #tpu.memory_space<semaphore_mem>>
        %dma_start3A_57 = tpu.memref_slice %arg3[%add3A_50] : memref<327680xi32, #tpu.memory_space<hbm>> -> memref<128xi32, #tpu.memory_space<hbm>>
        %dma_start3A_58 = tpu.memref_slice %arg3[%add3A_50] : memref<327680xi32, #tpu.memory_space<hbm>> -> memref<128xi32, #tpu.memory_space<hbm>>
        tpu.enqueue_dma source(%dma_start3A_58 : memref<128xi32, #tpu.memory_space<hbm>>) target(%arg7 : memref<128xi32, #tpu.memory_space<vmem>>) target_semaphore(%run_scoped3A : memref<!tpu.dma_semaphore, #tpu.memory_space<semaphore_mem>>)
        %dma_wait3A_59 = tpu.memref_slice %arg3[%add3A_50] : memref<327680xi32, #tpu.memory_space<hbm>> -> memref<128xi32, #tpu.memory_space<hbm>>
        %dma_wait3A_60 = tpu.memref_slice %arg3[%add3A_50] : memref<327680xi32, #tpu.memory_space<hbm>> -> memref<128xi32, #tpu.memory_space<hbm>>
        tpu.wait_dma2 semaphore(%run_scoped3A : memref<!tpu.dma_semaphore, #tpu.memory_space<semaphore_mem>>) src(%dma_wait3A_60 : memref<128xi32, #tpu.memory_space<hbm>>) dst(%arg7 : memref<128xi32, #tpu.memory_space<vmem>>)
        tpu.yield
      }) : () -> ()
      "tpu.region"() ({
        %run_scoped3A = tpu.sem_alloc : memref<!tpu.dma_semaphore, #tpu.memory_space<semaphore_mem>>
        %dma_start3A_57 = tpu.memref_slice %arg4[%add3A_50] : memref<327680xi32, #tpu.memory_space<hbm>> -> memref<128xi32, #tpu.memory_space<hbm>>
        %dma_start3A_58 = tpu.memref_slice %arg4[%add3A_50] : memref<327680xi32, #tpu.memory_space<hbm>> -> memref<128xi32, #tpu.memory_space<hbm>>
        tpu.enqueue_dma source(%dma_start3A_58 : memref<128xi32, #tpu.memory_space<hbm>>) target(%arg8 : memref<128xi32, #tpu.memory_space<vmem>>) target_semaphore(%run_scoped3A : memref<!tpu.dma_semaphore, #tpu.memory_space<semaphore_mem>>)
        %dma_wait3A_59 = tpu.memref_slice %arg4[%add3A_50] : memref<327680xi32, #tpu.memory_space<hbm>> -> memref<128xi32, #tpu.memory_space<hbm>>
        %dma_wait3A_60 = tpu.memref_slice %arg4[%add3A_50] : memref<327680xi32, #tpu.memory_space<hbm>> -> memref<128xi32, #tpu.memory_space<hbm>>
        tpu.wait_dma2 semaphore(%run_scoped3A : memref<!tpu.dma_semaphore, #tpu.memory_space<semaphore_mem>>) src(%dma_wait3A_60 : memref<128xi32, #tpu.memory_space<hbm>>) dst(%arg8 : memref<128xi32, #tpu.memory_space<vmem>>)
        tpu.yield
      }) : () -> ()
      %dma_start3A_51 = arith.constant 0 : i32
      %dma_start3A_52 = arith.constant 0 : i32
      %dma_start3A_53 = tpu.memref_slice %arg2[%dma_start3A_51, %dma_start3A_52] : memref<10000x128xf32, #tpu.memory_space<hbm>> -> memref<10000x128xf32, #tpu.memory_space<hbm>>
      tpu.enqueue_indirect_dma source(%dma_start3A_53 : memref<10000x128xf32, #tpu.memory_space<hbm>>) target(%arg11 : memref<128x128xf32, #tpu.memory_space<vmem>>) offsets(%arg7 : memref<128xi32, #tpu.memory_space<vmem>>) semaphore(%arg14 : memref<!tpu.dma_semaphore, #tpu.memory_space<semaphore_mem>>)
      %dma_wait3A_54 = arith.constant 0 : i32
      %dma_wait3A_55 = arith.constant 0 : i32
      %dma_wait3A_56 = tpu.memref_slice %arg2[%dma_wait3A_54, %dma_wait3A_55] : memref<10000x128xf32, #tpu.memory_space<hbm>> -> memref<10000x128xf32, #tpu.memory_space<hbm>>
      tpu.wait_indirect_dma semaphore(%arg15 : memref<!tpu.dma_semaphore, #tpu.memory_space<semaphore_mem>>) src(%dma_wait3A_56 : memref<10000x128xf32, #tpu.memory_space<hbm>>) dst(%arg12 : memref<128x128xf32, #tpu.memory_space<vmem>>)
      "tpu.region"() ({
        %run_scoped3A = tpu.sem_alloc : memref<!tpu.dma_semaphore, #tpu.memory_space<semaphore_mem>>
        %dma_start3A_57 = arith.constant 0 : i32
        %dma_start3A_58 = arith.constant 0 : i32
        %dma_start3A_59 = tpu.memref_slice %arg13[%dma_start3A_57, %dma_start3A_58] : memref<10240x128xf32, #tpu.memory_space<vmem_shared>> -> memref<10240x128xf32, #tpu.memory_space<vmem_shared>>
        tpu.enqueue_indirect_dma source(%arg12 : memref<128x128xf32, #tpu.memory_space<vmem>>) target(%dma_start3A_59 : memref<10240x128xf32, #tpu.memory_space<vmem_shared>>) offsets(%arg10 : memref<128xi32, #tpu.memory_space<vmem>>) semaphore(%run_scoped3A : memref<!tpu.dma_semaphore, #tpu.memory_space<semaphore_mem>>) {add = true}
        %dma_wait3A_60 = arith.constant 0 : i32
        %dma_wait3A_61 = arith.constant 0 : i32
        %dma_wait3A_62 = tpu.memref_slice %arg13[%dma_wait3A_60, %dma_wait3A_61] : memref<10240x128xf32, #tpu.memory_space<vmem_shared>> -> memref<10240x128xf32, #tpu.memory_space<vmem_shared>>
        tpu.wait_indirect_dma semaphore(%run_scoped3A : memref<!tpu.dma_semaphore, #tpu.memory_space<semaphore_mem>>) src(%arg12 : memref<128x128xf32, #tpu.memory_space<vmem>>) dst(%dma_wait3A_62 : memref<10240x128xf32, #tpu.memory_space<vmem_shared>>)
        tpu.yield
      }) : () -> ()
    }
    %scan3A_13 = arith.constant 39 : i32
    %add3A_14 = arith.constant 10112 : i32
    %add3A_15 = arith.addi %mul3A_6, %add3A_14 : i32
    "tpu.region"() ({
      %run_scoped3A = tpu.sem_alloc : memref<!tpu.dma_semaphore, #tpu.memory_space<semaphore_mem>>
      %dma_start3A_30 = tpu.memref_slice %arg3[%add3A_15] : memref<327680xi32, #tpu.memory_space<hbm>> -> memref<128xi32, #tpu.memory_space<hbm>>
      %dma_start3A_31 = tpu.memref_slice %arg3[%add3A_15] : memref<327680xi32, #tpu.memory_space<hbm>> -> memref<128xi32, #tpu.memory_space<hbm>>
      tpu.enqueue_dma source(%dma_start3A_31 : memref<128xi32, #tpu.memory_space<hbm>>) target(%arg9 : memref<128xi32, #tpu.memory_space<vmem>>) target_semaphore(%run_scoped3A : memref<!tpu.dma_semaphore, #tpu.memory_space<semaphore_mem>>)
      %dma_wait3A_32 = tpu.memref_slice %arg3[%add3A_15] : memref<327680xi32, #tpu.memory_space<hbm>> -> memref<128xi32, #tpu.memory_space<hbm>>
      %dma_wait3A_33 = tpu.memref_slice %arg3[%add3A_15] : memref<327680xi32, #tpu.memory_space<hbm>> -> memref<128xi32, #tpu.memory_space<hbm>>
      tpu.wait_dma2 semaphore(%run_scoped3A : memref<!tpu.dma_semaphore, #tpu.memory_space<semaphore_mem>>) src(%dma_wait3A_33 : memref<128xi32, #tpu.memory_space<hbm>>) dst(%arg9 : memref<128xi32, #tpu.memory_space<vmem>>)
      tpu.yield
    }) : () -> ()
    "tpu.region"() ({
      %run_scoped3A = tpu.sem_alloc : memref<!tpu.dma_semaphore, #tpu.memory_space<semaphore_mem>>
      %dma_start3A_30 = tpu.memref_slice %arg4[%add3A_15] : memref<327680xi32, #tpu.memory_space<hbm>> -> memref<128xi32, #tpu.memory_space<hbm>>
      %dma_start3A_31 = tpu.memref_slice %arg4[%add3A_15] : memref<327680xi32, #tpu.memory_space<hbm>> -> memref<128xi32, #tpu.memory_space<hbm>>
      tpu.enqueue_dma source(%dma_start3A_31 : memref<128xi32, #tpu.memory_space<hbm>>) target(%arg10 : memref<128xi32, #tpu.memory_space<vmem>>) target_semaphore(%run_scoped3A : memref<!tpu.dma_semaphore, #tpu.memory_space<semaphore_mem>>)
      %dma_wait3A_32 = tpu.memref_slice %arg4[%add3A_15] : memref<327680xi32, #tpu.memory_space<hbm>> -> memref<128xi32, #tpu.memory_space<hbm>>
      %dma_wait3A_33 = tpu.memref_slice %arg4[%add3A_15] : memref<327680xi32, #tpu.memory_space<hbm>> -> memref<128xi32, #tpu.memory_space<hbm>>
      tpu.wait_dma2 semaphore(%run_scoped3A : memref<!tpu.dma_semaphore, #tpu.memory_space<semaphore_mem>>) src(%dma_wait3A_33 : memref<128xi32, #tpu.memory_space<hbm>>) dst(%arg10 : memref<128xi32, #tpu.memory_space<vmem>>)
      tpu.yield
    }) : () -> ()
    %dma_start3A_16 = arith.constant 0 : i32
    %dma_start3A_17 = arith.constant 0 : i32
    %dma_start3A_18 = tpu.memref_slice %arg2[%dma_start3A_16, %dma_start3A_17] : memref<10000x128xf32, #tpu.memory_space<hbm>> -> memref<10000x128xf32, #tpu.memory_space<hbm>>
    tpu.enqueue_indirect_dma source(%dma_start3A_18 : memref<10000x128xf32, #tpu.memory_space<hbm>>) target(%arg12 : memref<128x128xf32, #tpu.memory_space<vmem>>) offsets(%arg9 : memref<128xi32, #tpu.memory_space<vmem>>) semaphore(%arg15 : memref<!tpu.dma_semaphore, #tpu.memory_space<semaphore_mem>>)
    %dma_wait3A = arith.constant 0 : i32
    %dma_wait3A_19 = arith.constant 0 : i32
    %dma_wait3A_20 = tpu.memref_slice %arg2[%dma_wait3A, %dma_wait3A_19] : memref<10000x128xf32, #tpu.memory_space<hbm>> -> memref<10000x128xf32, #tpu.memory_space<hbm>>
    tpu.wait_indirect_dma semaphore(%arg14 : memref<!tpu.dma_semaphore, #tpu.memory_space<semaphore_mem>>) src(%dma_wait3A_20 : memref<10000x128xf32, #tpu.memory_space<hbm>>) dst(%arg11 : memref<128x128xf32, #tpu.memory_space<vmem>>)
    "tpu.region"() ({
      %run_scoped3A = tpu.sem_alloc : memref<!tpu.dma_semaphore, #tpu.memory_space<semaphore_mem>>
      %dma_start3A_30 = arith.constant 0 : i32
      %dma_start3A_31 = arith.constant 0 : i32
      %dma_start3A_32 = tpu.memref_slice %arg13[%dma_start3A_30, %dma_start3A_31] : memref<10240x128xf32, #tpu.memory_space<vmem_shared>> -> memref<10240x128xf32, #tpu.memory_space<vmem_shared>>
      tpu.enqueue_indirect_dma source(%arg11 : memref<128x128xf32, #tpu.memory_space<vmem>>) target(%dma_start3A_32 : memref<10240x128xf32, #tpu.memory_space<vmem_shared>>) offsets(%arg8 : memref<128xi32, #tpu.memory_space<vmem>>) semaphore(%run_scoped3A : memref<!tpu.dma_semaphore, #tpu.memory_space<semaphore_mem>>) {add = true}
      %dma_wait3A_33 = arith.constant 0 : i32
      %dma_wait3A_34 = arith.constant 0 : i32
      %dma_wait3A_35 = tpu.memref_slice %arg13[%dma_wait3A_33, %dma_wait3A_34] : memref<10240x128xf32, #tpu.memory_space<vmem_shared>> -> memref<10240x128xf32, #tpu.memory_space<vmem_shared>>
      tpu.wait_indirect_dma semaphore(%run_scoped3A : memref<!tpu.dma_semaphore, #tpu.memory_space<semaphore_mem>>) src(%arg11 : memref<128x128xf32, #tpu.memory_space<vmem>>) dst(%dma_wait3A_35 : memref<10240x128xf32, #tpu.memory_space<vmem_shared>>)
      tpu.yield
    }) : () -> ()
    %dma_wait3A_21 = arith.constant 0 : i32
    %dma_wait3A_22 = arith.constant 0 : i32
    %dma_wait3A_23 = tpu.memref_slice %arg2[%dma_wait3A_21, %dma_wait3A_22] : memref<10000x128xf32, #tpu.memory_space<hbm>> -> memref<10000x128xf32, #tpu.memory_space<hbm>>
    tpu.wait_indirect_dma semaphore(%arg15 : memref<!tpu.dma_semaphore, #tpu.memory_space<semaphore_mem>>) src(%dma_wait3A_23 : memref<10000x128xf32, #tpu.memory_space<hbm>>) dst(%arg12 : memref<128x128xf32, #tpu.memory_space<vmem>>)
    "tpu.region"() ({
      %run_scoped3A = tpu.sem_alloc : memref<!tpu.dma_semaphore, #tpu.memory_space<semaphore_mem>>
      %dma_start3A_30 = arith.constant 0 : i32
      %dma_start3A_31 = arith.constant 0 : i32
      %dma_start3A_32 = tpu.memref_slice %arg13[%dma_start3A_30, %dma_start3A_31] : memref<10240x128xf32, #tpu.memory_space<vmem_shared>> -> memref<10240x128xf32, #tpu.memory_space<vmem_shared>>
      tpu.enqueue_indirect_dma source(%arg12 : memref<128x128xf32, #tpu.memory_space<vmem>>) target(%dma_start3A_32 : memref<10240x128xf32, #tpu.memory_space<vmem_shared>>) offsets(%arg10 : memref<128xi32, #tpu.memory_space<vmem>>) semaphore(%run_scoped3A : memref<!tpu.dma_semaphore, #tpu.memory_space<semaphore_mem>>) {add = true}
      %dma_wait3A_33 = arith.constant 0 : i32
      %dma_wait3A_34 = arith.constant 0 : i32
      %dma_wait3A_35 = tpu.memref_slice %arg13[%dma_wait3A_33, %dma_wait3A_34] : memref<10240x128xf32, #tpu.memory_space<vmem_shared>> -> memref<10240x128xf32, #tpu.memory_space<vmem_shared>>
      tpu.wait_indirect_dma semaphore(%run_scoped3A : memref<!tpu.dma_semaphore, #tpu.memory_space<semaphore_mem>>) src(%arg12 : memref<128x128xf32, #tpu.memory_space<vmem>>) dst(%dma_wait3A_35 : memref<10240x128xf32, #tpu.memory_space<vmem_shared>>)
      tpu.yield
    }) : () -> ()
    %barrier3A_24 = arith.constant 0 : index
    tpu.barrier barrier_id(%barrier3A_24)
    %scan3A_25 = arith.constant 0 : i32
    %scan3A_26 = arith.constant 5 : i32
    %scan3A_27 = arith.addi %scan3A_25, %scan3A_26 : i32
    %scan3A_28 = arith.constant 1 : i32
    scf.for %scan3A_30 = %scan3A_25 to %scan3A_27 step %scan3A_28  : i32 {
      %mul3A_31 = arith.constant 640 : i32
      %mul3A_32 = arith.muli %arg1, %mul3A_31 : i32
      %mul3A_33 = arith.constant 128 : i32
      %mul3A_34 = arith.muli %scan3A_30, %mul3A_33 : i32
      %add3A_35 = arith.addi %mul3A_32, %mul3A_34 : i32
      "tpu.region"() ({
        %run_scoped3A = tpu.sem_alloc : memref<!tpu.dma_semaphore, #tpu.memory_space<semaphore_mem>>
        %dma_start3A_39 = arith.constant 0 : i32
        %dma_start3A_40 = tpu.memref_slice %arg13[%add3A_35, %dma_start3A_39] : memref<10240x128xf32, #tpu.memory_space<vmem_shared>> -> memref<128x128xf32, #tpu.memory_space<vmem_shared>>
        %dma_start3A_41 = arith.constant 0 : i32
        %dma_start3A_42 = tpu.memref_slice %arg13[%add3A_35, %dma_start3A_41] : memref<10240x128xf32, #tpu.memory_space<vmem_shared>> -> memref<128x128xf32, #tpu.memory_space<vmem_shared>>
        tpu.enqueue_dma source(%dma_start3A_42 : memref<128x128xf32, #tpu.memory_space<vmem_shared>>) target(%arg11 : memref<128x128xf32, #tpu.memory_space<vmem>>) target_semaphore(%run_scoped3A : memref<!tpu.dma_semaphore, #tpu.memory_space<semaphore_mem>>)
        %dma_wait3A_43 = arith.constant 0 : i32
        %dma_wait3A_44 = tpu.memref_slice %arg13[%add3A_35, %dma_wait3A_43] : memref<10240x128xf32, #tpu.memory_space<vmem_shared>> -> memref<128x128xf32, #tpu.memory_space<vmem_shared>>
        %dma_wait3A_45 = arith.constant 0 : i32
        %dma_wait3A_46 = tpu.memref_slice %arg13[%add3A_35, %dma_wait3A_45] : memref<10240x128xf32, #tpu.memory_space<vmem_shared>> -> memref<128x128xf32, #tpu.memory_space<vmem_shared>>
        tpu.wait_dma2 semaphore(%run_scoped3A : memref<!tpu.dma_semaphore, #tpu.memory_space<semaphore_mem>>) src(%dma_wait3A_46 : memref<128x128xf32, #tpu.memory_space<vmem_shared>>) dst(%arg11 : memref<128x128xf32, #tpu.memory_space<vmem>>)
        tpu.yield
      }) : () -> ()
      %mul3A_36 = arith.constant 10240 : i32
      %mul3A_37 = arith.muli %arg0, %mul3A_36 : i32
      %add3A_38 = arith.addi %mul3A_37, %add3A_35 : i32
      "tpu.region"() ({
        %run_scoped3A = tpu.sem_alloc : memref<!tpu.dma_semaphore, #tpu.memory_space<semaphore_mem>>
        %dma_start3A_39 = arith.constant 0 : i32
        %dma_start3A_40 = tpu.memref_slice %arg6[%add3A_38, %dma_start3A_39] : memref<20480x128xf32, #tpu.memory_space<hbm>> -> memref<128x128xf32, #tpu.memory_space<hbm>>
        %dma_start3A_41 = arith.constant 0 : i32
        %dma_start3A_42 = tpu.memref_slice %arg6[%add3A_38, %dma_start3A_41] : memref<20480x128xf32, #tpu.memory_space<hbm>> -> memref<128x128xf32, #tpu.memory_space<hbm>>
        tpu.enqueue_dma source(%arg11 : memref<128x128xf32, #tpu.memory_space<vmem>>) target(%dma_start3A_42 : memref<128x128xf32, #tpu.memory_space<hbm>>) target_semaphore(%run_scoped3A : memref<!tpu.dma_semaphore, #tpu.memory_space<semaphore_mem>>)
        %dma_wait3A_43 = arith.constant 0 : i32
        %dma_wait3A_44 = tpu.memref_slice %arg6[%add3A_38, %dma_wait3A_43] : memref<20480x128xf32, #tpu.memory_space<hbm>> -> memref<128x128xf32, #tpu.memory_space<hbm>>
        %dma_wait3A_45 = arith.constant 0 : i32
        %dma_wait3A_46 = tpu.memref_slice %arg6[%add3A_38, %dma_wait3A_45] : memref<20480x128xf32, #tpu.memory_space<hbm>> -> memref<128x128xf32, #tpu.memory_space<hbm>>
        tpu.wait_dma2 semaphore(%run_scoped3A : memref<!tpu.dma_semaphore, #tpu.memory_space<semaphore_mem>>) src(%arg11 : memref<128x128xf32, #tpu.memory_space<vmem>>) dst(%dma_wait3A_46 : memref<128x128xf32, #tpu.memory_space<hbm>>)
        tpu.yield
      }) : () -> ()
    }
    %scan3A_29 = arith.constant 5 : i32
    return
  }
}

#map = affine_map<(d0, d1) -> (0, 0)>
#map1 = affine_map<(d0, d1) -> (0)>
module attributes {stable_mosaic.version = 14 : i64} {
  func.func @_sc_body(%arg0: i32, %arg1: i32, %arg2: memref<10000x128xf32, #tpu.memory_space<hbm>>, %arg3: memref<327680xi32, #tpu.memory_space<hbm>>, %arg4: memref<327680xi32, #tpu.memory_space<hbm>>, %arg5: memref<10240x128xf32, #tpu.memory_space<hbm>>, %arg6: memref<20480x128xf32, #tpu.memory_space<hbm>>, %arg7: memref<32x10240xf32, #tpu.memory_space<hbm>>, %arg8: memref<128xi32, #tpu.memory_space<vmem>>, %arg9: memref<128xi32, #tpu.memory_space<vmem>>, %arg10: memref<128xi32, #tpu.memory_space<vmem>>, %arg11: memref<128xi32, #tpu.memory_space<vmem>>, %arg12: memref<128x128xf32, #tpu.memory_space<vmem>>, %arg13: memref<128x128xf32, #tpu.memory_space<vmem>>, %arg14: memref<10240xf32, #tpu.memory_space<vmem>>, %arg15: memref<10240x128xf32, #tpu.memory_space<vmem_shared>>, %arg16: memref<!tpu.dma_semaphore, #tpu.memory_space<semaphore_mem>>, %arg17: memref<!tpu.dma_semaphore, #tpu.memory_space<semaphore_mem>>) attributes {dimension_semantics = [#tpu.dimension_semantics<core_parallel>, #tpu.dimension_semantics<subcore_parallel>], iteration_bounds = array<i64: 2, 16>, scalar_prefetch = 0 : i64, scratch_operands = 10 : i64, tpu.core_type = #tpu.core_type<sc_vector_subcore>, window_params = [{transform_indices = #map}, {transform_indices = #map1}, {transform_indices = #map1}, {transform_indices = #map}, {transform_indices = #map}, {transform_indices = #map}]} {
    %mul3A = arith.constant 2 : i32
    %mul3A_0 = arith.muli %arg1, %mul3A : i32
    %add3A = arith.addi %mul3A_0, %arg0 : i32
    %scan3A = arith.constant 0 : i32
    %scan3A_1 = arith.constant 5 : i32
    %scan3A_2 = arith.addi %scan3A, %scan3A_1 : i32
    %scan3A_3 = arith.constant 1 : i32
    scf.for %scan3A_69 = %scan3A to %scan3A_2 step %scan3A_3  : i32 {
      %mul3A_70 = arith.constant 640 : i32
      %mul3A_71 = arith.muli %arg1, %mul3A_70 : i32
      %mul3A_72 = arith.constant 128 : i32
      %mul3A_73 = arith.muli %scan3A_69, %mul3A_72 : i32
      %add3A_74 = arith.addi %mul3A_71, %mul3A_73 : i32
      "tpu.region"() ({
        %run_scoped3A = tpu.sem_alloc : memref<!tpu.dma_semaphore, #tpu.memory_space<semaphore_mem>>
        %dma_start3A_75 = arith.constant 0 : i32
        %dma_start3A_76 = tpu.memref_slice %arg5[%add3A_74, %dma_start3A_75] : memref<10240x128xf32, #tpu.memory_space<hbm>> -> memref<128x128xf32, #tpu.memory_space<hbm>>
        %dma_start3A_77 = arith.constant 0 : i32
        %dma_start3A_78 = tpu.memref_slice %arg5[%add3A_74, %dma_start3A_77] : memref<10240x128xf32, #tpu.memory_space<hbm>> -> memref<128x128xf32, #tpu.memory_space<hbm>>
        tpu.enqueue_dma source(%dma_start3A_78 : memref<128x128xf32, #tpu.memory_space<hbm>>) target(%arg12 : memref<128x128xf32, #tpu.memory_space<vmem>>) target_semaphore(%run_scoped3A : memref<!tpu.dma_semaphore, #tpu.memory_space<semaphore_mem>>)
        %dma_wait3A_79 = arith.constant 0 : i32
        %dma_wait3A_80 = tpu.memref_slice %arg5[%add3A_74, %dma_wait3A_79] : memref<10240x128xf32, #tpu.memory_space<hbm>> -> memref<128x128xf32, #tpu.memory_space<hbm>>
        %dma_wait3A_81 = arith.constant 0 : i32
        %dma_wait3A_82 = tpu.memref_slice %arg5[%add3A_74, %dma_wait3A_81] : memref<10240x128xf32, #tpu.memory_space<hbm>> -> memref<128x128xf32, #tpu.memory_space<hbm>>
        tpu.wait_dma2 semaphore(%run_scoped3A : memref<!tpu.dma_semaphore, #tpu.memory_space<semaphore_mem>>) src(%dma_wait3A_82 : memref<128x128xf32, #tpu.memory_space<hbm>>) dst(%arg12 : memref<128x128xf32, #tpu.memory_space<vmem>>)
        tpu.yield
      }) : () -> ()
      "tpu.region"() ({
        %run_scoped3A = tpu.sem_alloc : memref<!tpu.dma_semaphore, #tpu.memory_space<semaphore_mem>>
        %dma_start3A_75 = arith.constant 0 : i32
        %dma_start3A_76 = tpu.memref_slice %arg15[%add3A_74, %dma_start3A_75] : memref<10240x128xf32, #tpu.memory_space<vmem_shared>> -> memref<128x128xf32, #tpu.memory_space<vmem_shared>>
        %dma_start3A_77 = arith.constant 0 : i32
        %dma_start3A_78 = tpu.memref_slice %arg15[%add3A_74, %dma_start3A_77] : memref<10240x128xf32, #tpu.memory_space<vmem_shared>> -> memref<128x128xf32, #tpu.memory_space<vmem_shared>>
        tpu.enqueue_dma source(%arg12 : memref<128x128xf32, #tpu.memory_space<vmem>>) target(%dma_start3A_78 : memref<128x128xf32, #tpu.memory_space<vmem_shared>>) target_semaphore(%run_scoped3A : memref<!tpu.dma_semaphore, #tpu.memory_space<semaphore_mem>>)
        %dma_wait3A_79 = arith.constant 0 : i32
        %dma_wait3A_80 = tpu.memref_slice %arg15[%add3A_74, %dma_wait3A_79] : memref<10240x128xf32, #tpu.memory_space<vmem_shared>> -> memref<128x128xf32, #tpu.memory_space<vmem_shared>>
        %dma_wait3A_81 = arith.constant 0 : i32
        %dma_wait3A_82 = tpu.memref_slice %arg15[%add3A_74, %dma_wait3A_81] : memref<10240x128xf32, #tpu.memory_space<vmem_shared>> -> memref<128x128xf32, #tpu.memory_space<vmem_shared>>
        tpu.wait_dma2 semaphore(%run_scoped3A : memref<!tpu.dma_semaphore, #tpu.memory_space<semaphore_mem>>) src(%arg12 : memref<128x128xf32, #tpu.memory_space<vmem>>) dst(%dma_wait3A_82 : memref<128x128xf32, #tpu.memory_space<vmem_shared>>)
        tpu.yield
      }) : () -> ()
    }
    %scan3A_4 = arith.constant 5 : i32
    %broadcast_in_dim3A = arith.constant 0.000000e+00 : f32
    %broadcast_in_dim3A_5 = vector.broadcast %broadcast_in_dim3A : f32 to vector<16xf32>
    %scan3A_6 = arith.constant 0 : i32
    %scan3A_7 = arith.constant 640 : i32
    %scan3A_8 = arith.addi %scan3A_6, %scan3A_7 : i32
    %scan3A_9 = arith.constant 1 : i32
    scf.for %scan3A_69 = %scan3A_6 to %scan3A_8 step %scan3A_9  : i32 {
      %mul3A_70 = arith.constant 16 : i32
      %mul3A_71 = arith.muli %scan3A_69, %mul3A_70 : i32
      %swap3A = arith.index_cast %mul3A_71 : i32 to index
      %swap3A_72 = tpu.vector_load %arg14[%swap3A] {strides = array<i32>} : memref<10240xf32, #tpu.memory_space<vmem>>, vector<16xf32>,
      tpu.vector_store %arg14[%swap3A], %broadcast_in_dim3A_5 {strides = array<i32>} : memref<10240xf32, #tpu.memory_space<vmem>>, vector<16xf32>,
    }
    %scan3A_10 = arith.constant 640 : i32
    %barrier3A = arith.constant 0 : index
    tpu.barrier barrier_id(%barrier3A)
    %mul3A_11 = arith.constant 10240 : i32
    %mul3A_12 = arith.muli %add3A, %mul3A_11 : i32
    %broadcast_in_dim3A_13 = arith.constant 1.000000e+00 : f32
    %broadcast_in_dim3A_14 = vector.broadcast %broadcast_in_dim3A_13 : f32 to vector<16xf32>
    "tpu.region"() ({
      %run_scoped3A = tpu.sem_alloc : memref<!tpu.dma_semaphore, #tpu.memory_space<semaphore_mem>>
      %dma_start3A_69 = tpu.memref_slice %arg3[%mul3A_12] : memref<327680xi32, #tpu.memory_space<hbm>> -> memref<128xi32, #tpu.memory_space<hbm>>
      %dma_start3A_70 = tpu.memref_slice %arg3[%mul3A_12] : memref<327680xi32, #tpu.memory_space<hbm>> -> memref<128xi32, #tpu.memory_space<hbm>>
      tpu.enqueue_dma source(%dma_start3A_70 : memref<128xi32, #tpu.memory_space<hbm>>) target(%arg8 : memref<128xi32, #tpu.memory_space<vmem>>) target_semaphore(%run_scoped3A : memref<!tpu.dma_semaphore, #tpu.memory_space<semaphore_mem>>)
      %dma_wait3A_71 = tpu.memref_slice %arg3[%mul3A_12] : memref<327680xi32, #tpu.memory_space<hbm>> -> memref<128xi32, #tpu.memory_space<hbm>>
      %dma_wait3A_72 = tpu.memref_slice %arg3[%mul3A_12] : memref<327680xi32, #tpu.memory_space<hbm>> -> memref<128xi32, #tpu.memory_space<hbm>>
      tpu.wait_dma2 semaphore(%run_scoped3A : memref<!tpu.dma_semaphore, #tpu.memory_space<semaphore_mem>>) src(%dma_wait3A_72 : memref<128xi32, #tpu.memory_space<hbm>>) dst(%arg8 : memref<128xi32, #tpu.memory_space<vmem>>)
      tpu.yield
    }) : () -> ()
    "tpu.region"() ({
      %run_scoped3A = tpu.sem_alloc : memref<!tpu.dma_semaphore, #tpu.memory_space<semaphore_mem>>
      %dma_start3A_69 = tpu.memref_slice %arg4[%mul3A_12] : memref<327680xi32, #tpu.memory_space<hbm>> -> memref<128xi32, #tpu.memory_space<hbm>>
      %dma_start3A_70 = tpu.memref_slice %arg4[%mul3A_12] : memref<327680xi32, #tpu.memory_space<hbm>> -> memref<128xi32, #tpu.memory_space<hbm>>
      tpu.enqueue_dma source(%dma_start3A_70 : memref<128xi32, #tpu.memory_space<hbm>>) target(%arg9 : memref<128xi32, #tpu.memory_space<vmem>>) target_semaphore(%run_scoped3A : memref<!tpu.dma_semaphore, #tpu.memory_space<semaphore_mem>>)
      %dma_wait3A_71 = tpu.memref_slice %arg4[%mul3A_12] : memref<327680xi32, #tpu.memory_space<hbm>> -> memref<128xi32, #tpu.memory_space<hbm>>
      %dma_wait3A_72 = tpu.memref_slice %arg4[%mul3A_12] : memref<327680xi32, #tpu.memory_space<hbm>> -> memref<128xi32, #tpu.memory_space<hbm>>
      tpu.wait_dma2 semaphore(%run_scoped3A : memref<!tpu.dma_semaphore, #tpu.memory_space<semaphore_mem>>) src(%dma_wait3A_72 : memref<128xi32, #tpu.memory_space<hbm>>) dst(%arg9 : memref<128xi32, #tpu.memory_space<vmem>>)
      tpu.yield
    }) : () -> ()
    %dma_start3A = arith.constant 0 : i32
    %dma_start3A_15 = arith.constant 0 : i32
    %dma_start3A_16 = tpu.memref_slice %arg2[%dma_start3A, %dma_start3A_15] : memref<10000x128xf32, #tpu.memory_space<hbm>> -> memref<10000x128xf32, #tpu.memory_space<hbm>>
    tpu.enqueue_indirect_dma source(%dma_start3A_16 : memref<10000x128xf32, #tpu.memory_space<hbm>>) target(%arg12 : memref<128x128xf32, #tpu.memory_space<vmem>>) offsets(%arg8 : memref<128xi32, #tpu.memory_space<vmem>>) semaphore(%arg16 : memref<!tpu.dma_semaphore, #tpu.memory_space<semaphore_mem>>)
    %scan3A_17 = arith.constant 0 : i32
    %scan3A_18 = arith.constant 39 : i32
    %scan3A_19 = arith.addi %scan3A_17, %scan3A_18 : i32
    %scan3A_20 = arith.constant 1 : i32
    scf.for %scan3A_69 = %scan3A_17 to %scan3A_19 step %scan3A_20  : i32 {
      %mul3A_70 = arith.constant 2 : i32
      %mul3A_71 = arith.muli %mul3A_70, %scan3A_69 : i32
      %add3A_72 = arith.constant 1 : i32
      %add3A_73 = arith.addi %mul3A_71, %add3A_72 : i32
      %mul3A_74 = arith.constant 128 : i32
      %mul3A_75 = arith.muli %add3A_73, %mul3A_74 : i32
      %add3A_76 = arith.addi %mul3A_12, %mul3A_75 : i32
      "tpu.region"() ({
        %run_scoped3A = tpu.sem_alloc : memref<!tpu.dma_semaphore, #tpu.memory_space<semaphore_mem>>
        %dma_start3A_128 = tpu.memref_slice %arg3[%add3A_76] : memref<327680xi32, #tpu.memory_space<hbm>> -> memref<128xi32, #tpu.memory_space<hbm>>
        %dma_start3A_129 = tpu.memref_slice %arg3[%add3A_76] : memref<327680xi32, #tpu.memory_space<hbm>> -> memref<128xi32, #tpu.memory_space<hbm>>
        tpu.enqueue_dma source(%dma_start3A_129 : memref<128xi32, #tpu.memory_space<hbm>>) target(%arg10 : memref<128xi32, #tpu.memory_space<vmem>>) target_semaphore(%run_scoped3A : memref<!tpu.dma_semaphore, #tpu.memory_space<semaphore_mem>>)
        %dma_wait3A_130 = tpu.memref_slice %arg3[%add3A_76] : memref<327680xi32, #tpu.memory_space<hbm>> -> memref<128xi32, #tpu.memory_space<hbm>>
        %dma_wait3A_131 = tpu.memref_slice %arg3[%add3A_76] : memref<327680xi32, #tpu.memory_space<hbm>> -> memref<128xi32, #tpu.memory_space<hbm>>
        tpu.wait_dma2 semaphore(%run_scoped3A : memref<!tpu.dma_semaphore, #tpu.memory_space<semaphore_mem>>) src(%dma_wait3A_131 : memref<128xi32, #tpu.memory_space<hbm>>) dst(%arg10 : memref<128xi32, #tpu.memory_space<vmem>>)
        tpu.yield
      }) : () -> ()
      "tpu.region"() ({
        %run_scoped3A = tpu.sem_alloc : memref<!tpu.dma_semaphore, #tpu.memory_space<semaphore_mem>>
        %dma_start3A_128 = tpu.memref_slice %arg4[%add3A_76] : memref<327680xi32, #tpu.memory_space<hbm>> -> memref<128xi32, #tpu.memory_space<hbm>>
        %dma_start3A_129 = tpu.memref_slice %arg4[%add3A_76] : memref<327680xi32, #tpu.memory_space<hbm>> -> memref<128xi32, #tpu.memory_space<hbm>>
        tpu.enqueue_dma source(%dma_start3A_129 : memref<128xi32, #tpu.memory_space<hbm>>) target(%arg11 : memref<128xi32, #tpu.memory_space<vmem>>) target_semaphore(%run_scoped3A : memref<!tpu.dma_semaphore, #tpu.memory_space<semaphore_mem>>)
        %dma_wait3A_130 = tpu.memref_slice %arg4[%add3A_76] : memref<327680xi32, #tpu.memory_space<hbm>> -> memref<128xi32, #tpu.memory_space<hbm>>
        %dma_wait3A_131 = tpu.memref_slice %arg4[%add3A_76] : memref<327680xi32, #tpu.memory_space<hbm>> -> memref<128xi32, #tpu.memory_space<hbm>>
        tpu.wait_dma2 semaphore(%run_scoped3A : memref<!tpu.dma_semaphore, #tpu.memory_space<semaphore_mem>>) src(%dma_wait3A_131 : memref<128xi32, #tpu.memory_space<hbm>>) dst(%arg11 : memref<128xi32, #tpu.memory_space<vmem>>)
        tpu.yield
      }) : () -> ()
      %dma_start3A_77 = arith.constant 0 : i32
      %dma_start3A_78 = arith.constant 0 : i32
      %dma_start3A_79 = tpu.memref_slice %arg2[%dma_start3A_77, %dma_start3A_78] : memref<10000x128xf32, #tpu.memory_space<hbm>> -> memref<10000x128xf32, #tpu.memory_space<hbm>>
      tpu.enqueue_indirect_dma source(%dma_start3A_79 : memref<10000x128xf32, #tpu.memory_space<hbm>>) target(%arg13 : memref<128x128xf32, #tpu.memory_space<vmem>>) offsets(%arg10 : memref<128xi32, #tpu.memory_space<vmem>>) semaphore(%arg17 : memref<!tpu.dma_semaphore, #tpu.memory_space<semaphore_mem>>)
      %dma_wait3A_80 = arith.constant 0 : i32
      %dma_wait3A_81 = arith.constant 0 : i32
      %dma_wait3A_82 = tpu.memref_slice %arg2[%dma_wait3A_80, %dma_wait3A_81] : memref<10000x128xf32, #tpu.memory_space<hbm>> -> memref<10000x128xf32, #tpu.memory_space<hbm>>
      tpu.wait_indirect_dma semaphore(%arg16 : memref<!tpu.dma_semaphore, #tpu.memory_space<semaphore_mem>>) src(%dma_wait3A_82 : memref<10000x128xf32, #tpu.memory_space<hbm>>) dst(%arg12 : memref<128x128xf32, #tpu.memory_space<vmem>>)
      "tpu.region"() ({
        %run_scoped3A = tpu.sem_alloc : memref<!tpu.dma_semaphore, #tpu.memory_space<semaphore_mem>>
        %dma_start3A_128 = arith.constant 0 : i32
        %dma_start3A_129 = arith.constant 0 : i32
        %dma_start3A_130 = tpu.memref_slice %arg15[%dma_start3A_128, %dma_start3A_129] : memref<10240x128xf32, #tpu.memory_space<vmem_shared>> -> memref<10240x128xf32, #tpu.memory_space<vmem_shared>>
        tpu.enqueue_indirect_dma source(%arg12 : memref<128x128xf32, #tpu.memory_space<vmem>>) target(%dma_start3A_130 : memref<10240x128xf32, #tpu.memory_space<vmem_shared>>) offsets(%arg9 : memref<128xi32, #tpu.memory_space<vmem>>) semaphore(%run_scoped3A : memref<!tpu.dma_semaphore, #tpu.memory_space<semaphore_mem>>) {add = true}
        %dma_wait3A_131 = arith.constant 0 : i32
        %dma_wait3A_132 = arith.constant 0 : i32
        %dma_wait3A_133 = tpu.memref_slice %arg15[%dma_wait3A_131, %dma_wait3A_132] : memref<10240x128xf32, #tpu.memory_space<vmem_shared>> -> memref<10240x128xf32, #tpu.memory_space<vmem_shared>>
        tpu.wait_indirect_dma semaphore(%run_scoped3A : memref<!tpu.dma_semaphore, #tpu.memory_space<semaphore_mem>>) src(%arg12 : memref<128x128xf32, #tpu.memory_space<vmem>>) dst(%dma_wait3A_133 : memref<10240x128xf32, #tpu.memory_space<vmem_shared>>)
        tpu.yield
      }) : () -> ()
      %get3A_83 = arith.constant 0 : index
      %get3A_84 = tpu.vector_load %arg9[%get3A_83] {strides = array<i32>} : memref<128xi32, #tpu.memory_space<vmem>>, vector<16xi32>,
      tpu.vector_store_idx %arg14[%get3A_84], %broadcast_in_dim3A_14 {add = true} : memref<10240xf32, #tpu.memory_space<vmem>>[vector<16xi32>], vector<16xf32>,
      %get3A_85 = arith.constant 16 : index
      %get3A_86 = tpu.vector_load %arg9[%get3A_85] {strides = array<i32>} : memref<128xi32, #tpu.memory_space<vmem>>, vector<16xi32>,
      tpu.vector_store_idx %arg14[%get3A_86], %broadcast_in_dim3A_14 {add = true} : memref<10240xf32, #tpu.memory_space<vmem>>[vector<16xi32>], vector<16xf32>,
      %get3A_87 = arith.constant 32 : index
      %get3A_88 = tpu.vector_load %arg9[%get3A_87] {strides = array<i32>} : memref<128xi32, #tpu.memory_space<vmem>>, vector<16xi32>,
      tpu.vector_store_idx %arg14[%get3A_88], %broadcast_in_dim3A_14 {add = true} : memref<10240xf32, #tpu.memory_space<vmem>>[vector<16xi32>], vector<16xf32>,
      %get3A_89 = arith.constant 48 : index
      %get3A_90 = tpu.vector_load %arg9[%get3A_89] {strides = array<i32>} : memref<128xi32, #tpu.memory_space<vmem>>, vector<16xi32>,
      tpu.vector_store_idx %arg14[%get3A_90], %broadcast_in_dim3A_14 {add = true} : memref<10240xf32, #tpu.memory_space<vmem>>[vector<16xi32>], vector<16xf32>,
      %get3A_91 = arith.constant 64 : index
      %get3A_92 = tpu.vector_load %arg9[%get3A_91] {strides = array<i32>} : memref<128xi32, #tpu.memory_space<vmem>>, vector<16xi32>,
      tpu.vector_store_idx %arg14[%get3A_92], %broadcast_in_dim3A_14 {add = true} : memref<10240xf32, #tpu.memory_space<vmem>>[vector<16xi32>], vector<16xf32>,
      %get3A_93 = arith.constant 80 : index
      %get3A_94 = tpu.vector_load %arg9[%get3A_93] {strides = array<i32>} : memref<128xi32, #tpu.memory_space<vmem>>, vector<16xi32>,
      tpu.vector_store_idx %arg14[%get3A_94], %broadcast_in_dim3A_14 {add = true} : memref<10240xf32, #tpu.memory_space<vmem>>[vector<16xi32>], vector<16xf32>,
      %get3A_95 = arith.constant 96 : index
      %get3A_96 = tpu.vector_load %arg9[%get3A_95] {strides = array<i32>} : memref<128xi32, #tpu.memory_space<vmem>>, vector<16xi32>,
      tpu.vector_store_idx %arg14[%get3A_96], %broadcast_in_dim3A_14 {add = true} : memref<10240xf32, #tpu.memory_space<vmem>>[vector<16xi32>], vector<16xf32>,
      %get3A_97 = arith.constant 112 : index
      %get3A_98 = tpu.vector_load %arg9[%get3A_97] {strides = array<i32>} : memref<128xi32, #tpu.memory_space<vmem>>, vector<16xi32>,
      tpu.vector_store_idx %arg14[%get3A_98], %broadcast_in_dim3A_14 {add = true} : memref<10240xf32, #tpu.memory_space<vmem>>[vector<16xi32>], vector<16xf32>,
      %mul3A_99 = arith.constant 2 : i32
      %mul3A_100 = arith.muli %mul3A_99, %scan3A_69 : i32
      %add3A_101 = arith.constant 2 : i32
      %add3A_102 = arith.addi %mul3A_100, %add3A_101 : i32
      %mul3A_103 = arith.constant 128 : i32
      %mul3A_104 = arith.muli %add3A_102, %mul3A_103 : i32
      %add3A_105 = arith.addi %mul3A_12, %mul3A_104 : i32
      "tpu.region"() ({
        %run_scoped3A = tpu.sem_alloc : memref<!tpu.dma_semaphore, #tpu.memory_space<semaphore_mem>>
        %dma_start3A_128 = tpu.memref_slice %arg3[%add3A_105] : memref<327680xi32, #tpu.memory_space<hbm>> -> memref<128xi32, #tpu.memory_space<hbm>>
        %dma_start3A_129 = tpu.memref_slice %arg3[%add3A_105] : memref<327680xi32, #tpu.memory_space<hbm>> -> memref<128xi32, #tpu.memory_space<hbm>>
        tpu.enqueue_dma source(%dma_start3A_129 : memref<128xi32, #tpu.memory_space<hbm>>) target(%arg8 : memref<128xi32, #tpu.memory_space<vmem>>) target_semaphore(%run_scoped3A : memref<!tpu.dma_semaphore, #tpu.memory_space<semaphore_mem>>)
        %dma_wait3A_130 = tpu.memref_slice %arg3[%add3A_105] : memref<327680xi32, #tpu.memory_space<hbm>> -> memref<128xi32, #tpu.memory_space<hbm>>
        %dma_wait3A_131 = tpu.memref_slice %arg3[%add3A_105] : memref<327680xi32, #tpu.memory_space<hbm>> -> memref<128xi32, #tpu.memory_space<hbm>>
        tpu.wait_dma2 semaphore(%run_scoped3A : memref<!tpu.dma_semaphore, #tpu.memory_space<semaphore_mem>>) src(%dma_wait3A_131 : memref<128xi32, #tpu.memory_space<hbm>>) dst(%arg8 : memref<128xi32, #tpu.memory_space<vmem>>)
        tpu.yield
      }) : () -> ()
      "tpu.region"() ({
        %run_scoped3A = tpu.sem_alloc : memref<!tpu.dma_semaphore, #tpu.memory_space<semaphore_mem>>
        %dma_start3A_128 = tpu.memref_slice %arg4[%add3A_105] : memref<327680xi32, #tpu.memory_space<hbm>> -> memref<128xi32, #tpu.memory_space<hbm>>
        %dma_start3A_129 = tpu.memref_slice %arg4[%add3A_105] : memref<327680xi32, #tpu.memory_space<hbm>> -> memref<128xi32, #tpu.memory_space<hbm>>
        tpu.enqueue_dma source(%dma_start3A_129 : memref<128xi32, #tpu.memory_space<hbm>>) target(%arg9 : memref<128xi32, #tpu.memory_space<vmem>>) target_semaphore(%run_scoped3A : memref<!tpu.dma_semaphore, #tpu.memory_space<semaphore_mem>>)
        %dma_wait3A_130 = tpu.memref_slice %arg4[%add3A_105] : memref<327680xi32, #tpu.memory_space<hbm>> -> memref<128xi32, #tpu.memory_space<hbm>>
        %dma_wait3A_131 = tpu.memref_slice %arg4[%add3A_105] : memref<327680xi32, #tpu.memory_space<hbm>> -> memref<128xi32, #tpu.memory_space<hbm>>
        tpu.wait_dma2 semaphore(%run_scoped3A : memref<!tpu.dma_semaphore, #tpu.memory_space<semaphore_mem>>) src(%dma_wait3A_131 : memref<128xi32, #tpu.memory_space<hbm>>) dst(%arg9 : memref<128xi32, #tpu.memory_space<vmem>>)
        tpu.yield
      }) : () -> ()
      %dma_start3A_106 = arith.constant 0 : i32
      %dma_start3A_107 = arith.constant 0 : i32
      %dma_start3A_108 = tpu.memref_slice %arg2[%dma_start3A_106, %dma_start3A_107] : memref<10000x128xf32, #tpu.memory_space<hbm>> -> memref<10000x128xf32, #tpu.memory_space<hbm>>
      tpu.enqueue_indirect_dma source(%dma_start3A_108 : memref<10000x128xf32, #tpu.memory_space<hbm>>) target(%arg12 : memref<128x128xf32, #tpu.memory_space<vmem>>) offsets(%arg8 : memref<128xi32, #tpu.memory_space<vmem>>) semaphore(%arg16 : memref<!tpu.dma_semaphore, #tpu.memory_space<semaphore_mem>>)
      %dma_wait3A_109 = arith.constant 0 : i32
      %dma_wait3A_110 = arith.constant 0 : i32
      %dma_wait3A_111 = tpu.memref_slice %arg2[%dma_wait3A_109, %dma_wait3A_110] : memref<10000x128xf32, #tpu.memory_space<hbm>> -> memref<10000x128xf32, #tpu.memory_space<hbm>>
      tpu.wait_indirect_dma semaphore(%arg17 : memref<!tpu.dma_semaphore, #tpu.memory_space<semaphore_mem>>) src(%dma_wait3A_111 : memref<10000x128xf32, #tpu.memory_space<hbm>>) dst(%arg13 : memref<128x128xf32, #tpu.memory_space<vmem>>)
      "tpu.region"() ({
        %run_scoped3A = tpu.sem_alloc : memref<!tpu.dma_semaphore, #tpu.memory_space<semaphore_mem>>
        %dma_start3A_128 = arith.constant 0 : i32
        %dma_start3A_129 = arith.constant 0 : i32
        %dma_start3A_130 = tpu.memref_slice %arg15[%dma_start3A_128, %dma_start3A_129] : memref<10240x128xf32, #tpu.memory_space<vmem_shared>> -> memref<10240x128xf32, #tpu.memory_space<vmem_shared>>
        tpu.enqueue_indirect_dma source(%arg13 : memref<128x128xf32, #tpu.memory_space<vmem>>) target(%dma_start3A_130 : memref<10240x128xf32, #tpu.memory_space<vmem_shared>>) offsets(%arg11 : memref<128xi32, #tpu.memory_space<vmem>>) semaphore(%run_scoped3A : memref<!tpu.dma_semaphore, #tpu.memory_space<semaphore_mem>>) {add = true}
        %dma_wait3A_131 = arith.constant 0 : i32
        %dma_wait3A_132 = arith.constant 0 : i32
        %dma_wait3A_133 = tpu.memref_slice %arg15[%dma_wait3A_131, %dma_wait3A_132] : memref<10240x128xf32, #tpu.memory_space<vmem_shared>> -> memref<10240x128xf32, #tpu.memory_space<vmem_shared>>
        tpu.wait_indirect_dma semaphore(%run_scoped3A : memref<!tpu.dma_semaphore, #tpu.memory_space<semaphore_mem>>) src(%arg13 : memref<128x128xf32, #tpu.memory_space<vmem>>) dst(%dma_wait3A_133 : memref<10240x128xf32, #tpu.memory_space<vmem_shared>>)
        tpu.yield
      }) : () -> ()
      %get3A_112 = arith.constant 0 : index
      %get3A_113 = tpu.vector_load %arg11[%get3A_112] {strides = array<i32>} : memref<128xi32, #tpu.memory_space<vmem>>, vector<16xi32>,
      tpu.vector_store_idx %arg14[%get3A_113], %broadcast_in_dim3A_14 {add = true} : memref<10240xf32, #tpu.memory_space<vmem>>[vector<16xi32>], vector<16xf32>,
      %get3A_114 = arith.constant 16 : index
      %get3A_115 = tpu.vector_load %arg11[%get3A_114] {strides = array<i32>} : memref<128xi32, #tpu.memory_space<vmem>>, vector<16xi32>,
      tpu.vector_store_idx %arg14[%get3A_115], %broadcast_in_dim3A_14 {add = true} : memref<10240xf32, #tpu.memory_space<vmem>>[vector<16xi32>], vector<16xf32>,
      %get3A_116 = arith.constant 32 : index
      %get3A_117 = tpu.vector_load %arg11[%get3A_116] {strides = array<i32>} : memref<128xi32, #tpu.memory_space<vmem>>, vector<16xi32>,
      tpu.vector_store_idx %arg14[%get3A_117], %broadcast_in_dim3A_14 {add = true} : memref<10240xf32, #tpu.memory_space<vmem>>[vector<16xi32>], vector<16xf32>,
      %get3A_118 = arith.constant 48 : index
      %get3A_119 = tpu.vector_load %arg11[%get3A_118] {strides = array<i32>} : memref<128xi32, #tpu.memory_space<vmem>>, vector<16xi32>,
      tpu.vector_store_idx %arg14[%get3A_119], %broadcast_in_dim3A_14 {add = true} : memref<10240xf32, #tpu.memory_space<vmem>>[vector<16xi32>], vector<16xf32>,
      %get3A_120 = arith.constant 64 : index
      %get3A_121 = tpu.vector_load %arg11[%get3A_120] {strides = array<i32>} : memref<128xi32, #tpu.memory_space<vmem>>, vector<16xi32>,
      tpu.vector_store_idx %arg14[%get3A_121], %broadcast_in_dim3A_14 {add = true} : memref<10240xf32, #tpu.memory_space<vmem>>[vector<16xi32>], vector<16xf32>,
      %get3A_122 = arith.constant 80 : index
      %get3A_123 = tpu.vector_load %arg11[%get3A_122] {strides = array<i32>} : memref<128xi32, #tpu.memory_space<vmem>>, vector<16xi32>,
      tpu.vector_store_idx %arg14[%get3A_123], %broadcast_in_dim3A_14 {add = true} : memref<10240xf32, #tpu.memory_space<vmem>>[vector<16xi32>], vector<16xf32>,
      %get3A_124 = arith.constant 96 : index
      %get3A_125 = tpu.vector_load %arg11[%get3A_124] {strides = array<i32>} : memref<128xi32, #tpu.memory_space<vmem>>, vector<16xi32>,
      tpu.vector_store_idx %arg14[%get3A_125], %broadcast_in_dim3A_14 {add = true} : memref<10240xf32, #tpu.memory_space<vmem>>[vector<16xi32>], vector<16xf32>,
      %get3A_126 = arith.constant 112 : index
      %get3A_127 = tpu.vector_load %arg11[%get3A_126] {strides = array<i32>} : memref<128xi32, #tpu.memory_space<vmem>>, vector<16xi32>,
      tpu.vector_store_idx %arg14[%get3A_127], %broadcast_in_dim3A_14 {add = true} : memref<10240xf32, #tpu.memory_space<vmem>>[vector<16xi32>], vector<16xf32>,
    }
    %scan3A_21 = arith.constant 39 : i32
    %add3A_22 = arith.constant 10112 : i32
    %add3A_23 = arith.addi %mul3A_12, %add3A_22 : i32
    "tpu.region"() ({
      %run_scoped3A = tpu.sem_alloc : memref<!tpu.dma_semaphore, #tpu.memory_space<semaphore_mem>>
      %dma_start3A_69 = tpu.memref_slice %arg3[%add3A_23] : memref<327680xi32, #tpu.memory_space<hbm>> -> memref<128xi32, #tpu.memory_space<hbm>>
      %dma_start3A_70 = tpu.memref_slice %arg3[%add3A_23] : memref<327680xi32, #tpu.memory_space<hbm>> -> memref<128xi32, #tpu.memory_space<hbm>>
      tpu.enqueue_dma source(%dma_start3A_70 : memref<128xi32, #tpu.memory_space<hbm>>) target(%arg10 : memref<128xi32, #tpu.memory_space<vmem>>) target_semaphore(%run_scoped3A : memref<!tpu.dma_semaphore, #tpu.memory_space<semaphore_mem>>)
      %dma_wait3A_71 = tpu.memref_slice %arg3[%add3A_23] : memref<327680xi32, #tpu.memory_space<hbm>> -> memref<128xi32, #tpu.memory_space<hbm>>
      %dma_wait3A_72 = tpu.memref_slice %arg3[%add3A_23] : memref<327680xi32, #tpu.memory_space<hbm>> -> memref<128xi32, #tpu.memory_space<hbm>>
      tpu.wait_dma2 semaphore(%run_scoped3A : memref<!tpu.dma_semaphore, #tpu.memory_space<semaphore_mem>>) src(%dma_wait3A_72 : memref<128xi32, #tpu.memory_space<hbm>>) dst(%arg10 : memref<128xi32, #tpu.memory_space<vmem>>)
      tpu.yield
    }) : () -> ()
    "tpu.region"() ({
      %run_scoped3A = tpu.sem_alloc : memref<!tpu.dma_semaphore, #tpu.memory_space<semaphore_mem>>
      %dma_start3A_69 = tpu.memref_slice %arg4[%add3A_23] : memref<327680xi32, #tpu.memory_space<hbm>> -> memref<128xi32, #tpu.memory_space<hbm>>
      %dma_start3A_70 = tpu.memref_slice %arg4[%add3A_23] : memref<327680xi32, #tpu.memory_space<hbm>> -> memref<128xi32, #tpu.memory_space<hbm>>
      tpu.enqueue_dma source(%dma_start3A_70 : memref<128xi32, #tpu.memory_space<hbm>>) target(%arg11 : memref<128xi32, #tpu.memory_space<vmem>>) target_semaphore(%run_scoped3A : memref<!tpu.dma_semaphore, #tpu.memory_space<semaphore_mem>>)
      %dma_wait3A_71 = tpu.memref_slice %arg4[%add3A_23] : memref<327680xi32, #tpu.memory_space<hbm>> -> memref<128xi32, #tpu.memory_space<hbm>>
      %dma_wait3A_72 = tpu.memref_slice %arg4[%add3A_23] : memref<327680xi32, #tpu.memory_space<hbm>> -> memref<128xi32, #tpu.memory_space<hbm>>
      tpu.wait_dma2 semaphore(%run_scoped3A : memref<!tpu.dma_semaphore, #tpu.memory_space<semaphore_mem>>) src(%dma_wait3A_72 : memref<128xi32, #tpu.memory_space<hbm>>) dst(%arg11 : memref<128xi32, #tpu.memory_space<vmem>>)
      tpu.yield
    }) : () -> ()
    %dma_start3A_24 = arith.constant 0 : i32
    %dma_start3A_25 = arith.constant 0 : i32
    %dma_start3A_26 = tpu.memref_slice %arg2[%dma_start3A_24, %dma_start3A_25] : memref<10000x128xf32, #tpu.memory_space<hbm>> -> memref<10000x128xf32, #tpu.memory_space<hbm>>
    tpu.enqueue_indirect_dma source(%dma_start3A_26 : memref<10000x128xf32, #tpu.memory_space<hbm>>) target(%arg13 : memref<128x128xf32, #tpu.memory_space<vmem>>) offsets(%arg10 : memref<128xi32, #tpu.memory_space<vmem>>) semaphore(%arg17 : memref<!tpu.dma_semaphore, #tpu.memory_space<semaphore_mem>>)
    %dma_wait3A = arith.constant 0 : i32
    %dma_wait3A_27 = arith.constant 0 : i32
    %dma_wait3A_28 = tpu.memref_slice %arg2[%dma_wait3A, %dma_wait3A_27] : memref<10000x128xf32, #tpu.memory_space<hbm>> -> memref<10000x128xf32, #tpu.memory_space<hbm>>
    tpu.wait_indirect_dma semaphore(%arg16 : memref<!tpu.dma_semaphore, #tpu.memory_space<semaphore_mem>>) src(%dma_wait3A_28 : memref<10000x128xf32, #tpu.memory_space<hbm>>) dst(%arg12 : memref<128x128xf32, #tpu.memory_space<vmem>>)
    "tpu.region"() ({
      %run_scoped3A = tpu.sem_alloc : memref<!tpu.dma_semaphore, #tpu.memory_space<semaphore_mem>>
      %dma_start3A_69 = arith.constant 0 : i32
      %dma_start3A_70 = arith.constant 0 : i32
      %dma_start3A_71 = tpu.memref_slice %arg15[%dma_start3A_69, %dma_start3A_70] : memref<10240x128xf32, #tpu.memory_space<vmem_shared>> -> memref<10240x128xf32, #tpu.memory_space<vmem_shared>>
      tpu.enqueue_indirect_dma source(%arg12 : memref<128x128xf32, #tpu.memory_space<vmem>>) target(%dma_start3A_71 : memref<10240x128xf32, #tpu.memory_space<vmem_shared>>) offsets(%arg9 : memref<128xi32, #tpu.memory_space<vmem>>) semaphore(%run_scoped3A : memref<!tpu.dma_semaphore, #tpu.memory_space<semaphore_mem>>) {add = true}
      %dma_wait3A_72 = arith.constant 0 : i32
      %dma_wait3A_73 = arith.constant 0 : i32
      %dma_wait3A_74 = tpu.memref_slice %arg15[%dma_wait3A_72, %dma_wait3A_73] : memref<10240x128xf32, #tpu.memory_space<vmem_shared>> -> memref<10240x128xf32, #tpu.memory_space<vmem_shared>>
      tpu.wait_indirect_dma semaphore(%run_scoped3A : memref<!tpu.dma_semaphore, #tpu.memory_space<semaphore_mem>>) src(%arg12 : memref<128x128xf32, #tpu.memory_space<vmem>>) dst(%dma_wait3A_74 : memref<10240x128xf32, #tpu.memory_space<vmem_shared>>)
      tpu.yield
    }) : () -> ()
    %get3A = arith.constant 0 : index
    %get3A_29 = tpu.vector_load %arg9[%get3A] {strides = array<i32>} : memref<128xi32, #tpu.memory_space<vmem>>, vector<16xi32>,
    tpu.vector_store_idx %arg14[%get3A_29], %broadcast_in_dim3A_14 {add = true} : memref<10240xf32, #tpu.memory_space<vmem>>[vector<16xi32>], vector<16xf32>,
    %get3A_30 = arith.constant 16 : index
    %get3A_31 = tpu.vector_load %arg9[%get3A_30] {strides = array<i32>} : memref<128xi32, #tpu.memory_space<vmem>>, vector<16xi32>,
    tpu.vector_store_idx %arg14[%get3A_31], %broadcast_in_dim3A_14 {add = true} : memref<10240xf32, #tpu.memory_space<vmem>>[vector<16xi32>], vector<16xf32>,
    %get3A_32 = arith.constant 32 : index
    %get3A_33 = tpu.vector_load %arg9[%get3A_32] {strides = array<i32>} : memref<128xi32, #tpu.memory_space<vmem>>, vector<16xi32>,
    tpu.vector_store_idx %arg14[%get3A_33], %broadcast_in_dim3A_14 {add = true} : memref<10240xf32, #tpu.memory_space<vmem>>[vector<16xi32>], vector<16xf32>,
    %get3A_34 = arith.constant 48 : index
    %get3A_35 = tpu.vector_load %arg9[%get3A_34] {strides = array<i32>} : memref<128xi32, #tpu.memory_space<vmem>>, vector<16xi32>,
    tpu.vector_store_idx %arg14[%get3A_35], %broadcast_in_dim3A_14 {add = true} : memref<10240xf32, #tpu.memory_space<vmem>>[vector<16xi32>], vector<16xf32>,
    %get3A_36 = arith.constant 64 : index
    %get3A_37 = tpu.vector_load %arg9[%get3A_36] {strides = array<i32>} : memref<128xi32, #tpu.memory_space<vmem>>, vector<16xi32>,
    tpu.vector_store_idx %arg14[%get3A_37], %broadcast_in_dim3A_14 {add = true} : memref<10240xf32, #tpu.memory_space<vmem>>[vector<16xi32>], vector<16xf32>,
    %get3A_38 = arith.constant 80 : index
    %get3A_39 = tpu.vector_load %arg9[%get3A_38] {strides = array<i32>} : memref<128xi32, #tpu.memory_space<vmem>>, vector<16xi32>,
    tpu.vector_store_idx %arg14[%get3A_39], %broadcast_in_dim3A_14 {add = true} : memref<10240xf32, #tpu.memory_space<vmem>>[vector<16xi32>], vector<16xf32>,
    %get3A_40 = arith.constant 96 : index
    %get3A_41 = tpu.vector_load %arg9[%get3A_40] {strides = array<i32>} : memref<128xi32, #tpu.memory_space<vmem>>, vector<16xi32>,
    tpu.vector_store_idx %arg14[%get3A_41], %broadcast_in_dim3A_14 {add = true} : memref<10240xf32, #tpu.memory_space<vmem>>[vector<16xi32>], vector<16xf32>,
    %get3A_42 = arith.constant 112 : index
    %get3A_43 = tpu.vector_load %arg9[%get3A_42] {strides = array<i32>} : memref<128xi32, #tpu.memory_space<vmem>>, vector<16xi32>,
    tpu.vector_store_idx %arg14[%get3A_43], %broadcast_in_dim3A_14 {add = true} : memref<10240xf32, #tpu.memory_space<vmem>>[vector<16xi32>], vector<16xf32>,
    %dma_wait3A_44 = arith.constant 0 : i32
    %dma_wait3A_45 = arith.constant 0 : i32
    %dma_wait3A_46 = tpu.memref_slice %arg2[%dma_wait3A_44, %dma_wait3A_45] : memref<10000x128xf32, #tpu.memory_space<hbm>> -> memref<10000x128xf32, #tpu.memory_space<hbm>>
    tpu.wait_indirect_dma semaphore(%arg17 : memref<!tpu.dma_semaphore, #tpu.memory_space<semaphore_mem>>) src(%dma_wait3A_46 : memref<10000x128xf32, #tpu.memory_space<hbm>>) dst(%arg13 : memref<128x128xf32, #tpu.memory_space<vmem>>)
    "tpu.region"() ({
      %run_scoped3A = tpu.sem_alloc : memref<!tpu.dma_semaphore, #tpu.memory_space<semaphore_mem>>
      %dma_start3A_69 = arith.constant 0 : i32
      %dma_start3A_70 = arith.constant 0 : i32
      %dma_start3A_71 = tpu.memref_slice %arg15[%dma_start3A_69, %dma_start3A_70] : memref<10240x128xf32, #tpu.memory_space<vmem_shared>> -> memref<10240x128xf32, #tpu.memory_space<vmem_shared>>
      tpu.enqueue_indirect_dma source(%arg13 : memref<128x128xf32, #tpu.memory_space<vmem>>) target(%dma_start3A_71 : memref<10240x128xf32, #tpu.memory_space<vmem_shared>>) offsets(%arg11 : memref<128xi32, #tpu.memory_space<vmem>>) semaphore(%run_scoped3A : memref<!tpu.dma_semaphore, #tpu.memory_space<semaphore_mem>>) {add = true}
      %dma_wait3A_72 = arith.constant 0 : i32
      %dma_wait3A_73 = arith.constant 0 : i32
      %dma_wait3A_74 = tpu.memref_slice %arg15[%dma_wait3A_72, %dma_wait3A_73] : memref<10240x128xf32, #tpu.memory_space<vmem_shared>> -> memref<10240x128xf32, #tpu.memory_space<vmem_shared>>
      tpu.wait_indirect_dma semaphore(%run_scoped3A : memref<!tpu.dma_semaphore, #tpu.memory_space<semaphore_mem>>) src(%arg13 : memref<128x128xf32, #tpu.memory_space<vmem>>) dst(%dma_wait3A_74 : memref<10240x128xf32, #tpu.memory_space<vmem_shared>>)
      tpu.yield
    }) : () -> ()
    %get3A_47 = arith.constant 0 : index
    %get3A_48 = tpu.vector_load %arg11[%get3A_47] {strides = array<i32>} : memref<128xi32, #tpu.memory_space<vmem>>, vector<16xi32>,
    tpu.vector_store_idx %arg14[%get3A_48], %broadcast_in_dim3A_14 {add = true} : memref<10240xf32, #tpu.memory_space<vmem>>[vector<16xi32>], vector<16xf32>,
    %get3A_49 = arith.constant 16 : index
    %get3A_50 = tpu.vector_load %arg11[%get3A_49] {strides = array<i32>} : memref<128xi32, #tpu.memory_space<vmem>>, vector<16xi32>,
    tpu.vector_store_idx %arg14[%get3A_50], %broadcast_in_dim3A_14 {add = true} : memref<10240xf32, #tpu.memory_space<vmem>>[vector<16xi32>], vector<16xf32>,
    %get3A_51 = arith.constant 32 : index
    %get3A_52 = tpu.vector_load %arg11[%get3A_51] {strides = array<i32>} : memref<128xi32, #tpu.memory_space<vmem>>, vector<16xi32>,
    tpu.vector_store_idx %arg14[%get3A_52], %broadcast_in_dim3A_14 {add = true} : memref<10240xf32, #tpu.memory_space<vmem>>[vector<16xi32>], vector<16xf32>,
    %get3A_53 = arith.constant 48 : index
    %get3A_54 = tpu.vector_load %arg11[%get3A_53] {strides = array<i32>} : memref<128xi32, #tpu.memory_space<vmem>>, vector<16xi32>,
    tpu.vector_store_idx %arg14[%get3A_54], %broadcast_in_dim3A_14 {add = true} : memref<10240xf32, #tpu.memory_space<vmem>>[vector<16xi32>], vector<16xf32>,
    %get3A_55 = arith.constant 64 : index
    %get3A_56 = tpu.vector_load %arg11[%get3A_55] {strides = array<i32>} : memref<128xi32, #tpu.memory_space<vmem>>, vector<16xi32>,
    tpu.vector_store_idx %arg14[%get3A_56], %broadcast_in_dim3A_14 {add = true} : memref<10240xf32, #tpu.memory_space<vmem>>[vector<16xi32>], vector<16xf32>,
    %get3A_57 = arith.constant 80 : index
    %get3A_58 = tpu.vector_load %arg11[%get3A_57] {strides = array<i32>} : memref<128xi32, #tpu.memory_space<vmem>>, vector<16xi32>,
    tpu.vector_store_idx %arg14[%get3A_58], %broadcast_in_dim3A_14 {add = true} : memref<10240xf32, #tpu.memory_space<vmem>>[vector<16xi32>], vector<16xf32>,
    %get3A_59 = arith.constant 96 : index
    %get3A_60 = tpu.vector_load %arg11[%get3A_59] {strides = array<i32>} : memref<128xi32, #tpu.memory_space<vmem>>, vector<16xi32>,
    tpu.vector_store_idx %arg14[%get3A_60], %broadcast_in_dim3A_14 {add = true} : memref<10240xf32, #tpu.memory_space<vmem>>[vector<16xi32>], vector<16xf32>,
    %get3A_61 = arith.constant 112 : index
    %get3A_62 = tpu.vector_load %arg11[%get3A_61] {strides = array<i32>} : memref<128xi32, #tpu.memory_space<vmem>>, vector<16xi32>,
    tpu.vector_store_idx %arg14[%get3A_62], %broadcast_in_dim3A_14 {add = true} : memref<10240xf32, #tpu.memory_space<vmem>>[vector<16xi32>], vector<16xf32>,
    %barrier3A_63 = arith.constant 0 : index
    tpu.barrier barrier_id(%barrier3A_63)
    %scan3A_64 = arith.constant 0 : i32
    %scan3A_65 = arith.constant 5 : i32
    %scan3A_66 = arith.addi %scan3A_64, %scan3A_65 : i32
    %scan3A_67 = arith.constant 1 : i32
    scf.for %scan3A_69 = %scan3A_64 to %scan3A_66 step %scan3A_67  : i32 {
      %mul3A_70 = arith.constant 640 : i32
      %mul3A_71 = arith.muli %arg1, %mul3A_70 : i32
      %mul3A_72 = arith.constant 128 : i32
      %mul3A_73 = arith.muli %scan3A_69, %mul3A_72 : i32
      %add3A_74 = arith.addi %mul3A_71, %mul3A_73 : i32
      "tpu.region"() ({
        %run_scoped3A = tpu.sem_alloc : memref<!tpu.dma_semaphore, #tpu.memory_space<semaphore_mem>>
        %dma_start3A_78 = arith.constant 0 : i32
        %dma_start3A_79 = tpu.memref_slice %arg15[%add3A_74, %dma_start3A_78] : memref<10240x128xf32, #tpu.memory_space<vmem_shared>> -> memref<128x128xf32, #tpu.memory_space<vmem_shared>>
        %dma_start3A_80 = arith.constant 0 : i32
        %dma_start3A_81 = tpu.memref_slice %arg15[%add3A_74, %dma_start3A_80] : memref<10240x128xf32, #tpu.memory_space<vmem_shared>> -> memref<128x128xf32, #tpu.memory_space<vmem_shared>>
        tpu.enqueue_dma source(%dma_start3A_81 : memref<128x128xf32, #tpu.memory_space<vmem_shared>>) target(%arg12 : memref<128x128xf32, #tpu.memory_space<vmem>>) target_semaphore(%run_scoped3A : memref<!tpu.dma_semaphore, #tpu.memory_space<semaphore_mem>>)
        %dma_wait3A_82 = arith.constant 0 : i32
        %dma_wait3A_83 = tpu.memref_slice %arg15[%add3A_74, %dma_wait3A_82] : memref<10240x128xf32, #tpu.memory_space<vmem_shared>> -> memref<128x128xf32, #tpu.memory_space<vmem_shared>>
        %dma_wait3A_84 = arith.constant 0 : i32
        %dma_wait3A_85 = tpu.memref_slice %arg15[%add3A_74, %dma_wait3A_84] : memref<10240x128xf32, #tpu.memory_space<vmem_shared>> -> memref<128x128xf32, #tpu.memory_space<vmem_shared>>
        tpu.wait_dma2 semaphore(%run_scoped3A : memref<!tpu.dma_semaphore, #tpu.memory_space<semaphore_mem>>) src(%dma_wait3A_85 : memref<128x128xf32, #tpu.memory_space<vmem_shared>>) dst(%arg12 : memref<128x128xf32, #tpu.memory_space<vmem>>)
        tpu.yield
      }) : () -> ()
      %mul3A_75 = arith.constant 10240 : i32
      %mul3A_76 = arith.muli %arg0, %mul3A_75 : i32
      %add3A_77 = arith.addi %mul3A_76, %add3A_74 : i32
      "tpu.region"() ({
        %run_scoped3A = tpu.sem_alloc : memref<!tpu.dma_semaphore, #tpu.memory_space<semaphore_mem>>
        %dma_start3A_78 = arith.constant 0 : i32
        %dma_start3A_79 = tpu.memref_slice %arg6[%add3A_77, %dma_start3A_78] : memref<20480x128xf32, #tpu.memory_space<hbm>> -> memref<128x128xf32, #tpu.memory_space<hbm>>
        %dma_start3A_80 = arith.constant 0 : i32
        %dma_start3A_81 = tpu.memref_slice %arg6[%add3A_77, %dma_start3A_80] : memref<20480x128xf32, #tpu.memory_space<hbm>> -> memref<128x128xf32, #tpu.memory_space<hbm>>
        tpu.enqueue_dma source(%arg12 : memref<128x128xf32, #tpu.memory_space<vmem>>) target(%dma_start3A_81 : memref<128x128xf32, #tpu.memory_space<hbm>>) target_semaphore(%run_scoped3A : memref<!tpu.dma_semaphore, #tpu.memory_space<semaphore_mem>>)
        %dma_wait3A_82 = arith.constant 0 : i32
        %dma_wait3A_83 = tpu.memref_slice %arg6[%add3A_77, %dma_wait3A_82] : memref<20480x128xf32, #tpu.memory_space<hbm>> -> memref<128x128xf32, #tpu.memory_space<hbm>>
        %dma_wait3A_84 = arith.constant 0 : i32
        %dma_wait3A_85 = tpu.memref_slice %arg6[%add3A_77, %dma_wait3A_84] : memref<20480x128xf32, #tpu.memory_space<hbm>> -> memref<128x128xf32, #tpu.memory_space<hbm>>
        tpu.wait_dma2 semaphore(%run_scoped3A : memref<!tpu.dma_semaphore, #tpu.memory_space<semaphore_mem>>) src(%arg12 : memref<128x128xf32, #tpu.memory_space<vmem>>) dst(%dma_wait3A_85 : memref<128x128xf32, #tpu.memory_space<hbm>>)
        tpu.yield
      }) : () -> ()
    }
    %scan3A_68 = arith.constant 5 : i32
    "tpu.region"() ({
      %run_scoped3A = tpu.sem_alloc : memref<!tpu.dma_semaphore, #tpu.memory_space<semaphore_mem>>
      %dma_start3A_69 = arith.constant 0 : i32
      %dma_start3A_70 = tpu.memref_slice %arg7[%add3A, %dma_start3A_69] : memref<32x10240xf32, #tpu.memory_space<hbm>> -> memref<1x10240xf32, #tpu.memory_space<hbm>>
      %dma_start3A_71 = tpu.memref_squeeze %dma_start3A_70 : memref<1x10240xf32, #tpu.memory_space<hbm>> -> memref<10240xf32, #tpu.memory_space<hbm>>
      %dma_start3A_72 = arith.constant 0 : i32
      %dma_start3A_73 = tpu.memref_slice %arg7[%add3A, %dma_start3A_72] : memref<32x10240xf32, #tpu.memory_space<hbm>> -> memref<1x10240xf32, #tpu.memory_space<hbm>>
      %dma_start3A_74 = tpu.memref_squeeze %dma_start3A_73 : memref<1x10240xf32, #tpu.memory_space<hbm>> -> memref<10240xf32, #tpu.memory_space<hbm>>
      tpu.enqueue_dma source(%arg14 : memref<10240xf32, #tpu.memory_space<vmem>>) target(%dma_start3A_74 : memref<10240xf32, #tpu.memory_space<hbm>>) target_semaphore(%run_scoped3A : memref<!tpu.dma_semaphore, #tpu.memory_space<semaphore_mem>>)
      %dma_wait3A_75 = arith.constant 0 : i32
      %dma_wait3A_76 = tpu.memref_slice %arg7[%add3A, %dma_wait3A_75] : memref<32x10240xf32, #tpu.memory_space<hbm>> -> memref<1x10240xf32, #tpu.memory_space<hbm>>
      %dma_wait3A_77 = tpu.memref_squeeze %dma_wait3A_76 : memref<1x10240xf32, #tpu.memory_space<hbm>> -> memref<10240xf32, #tpu.memory_space<hbm>>
      %dma_wait3A_78 = arith.constant 0 : i32
      %dma_wait3A_79 = tpu.memref_slice %arg7[%add3A, %dma_wait3A_78] : memref<32x10240xf32, #tpu.memory_space<hbm>> -> memref<1x10240xf32, #tpu.memory_space<hbm>>
      %dma_wait3A_80 = tpu.memref_squeeze %dma_wait3A_79 : memref<1x10240xf32, #tpu.memory_space<hbm>> -> memref<10240xf32, #tpu.memory_space<hbm>>
      tpu.wait_dma2 semaphore(%run_scoped3A : memref<!tpu.dma_semaphore, #tpu.memory_space<semaphore_mem>>) src(%arg14 : memref<10240xf32, #tpu.memory_space<vmem>>) dst(%dma_wait3A_80 : memref<10240xf32, #tpu.memory_space<hbm>>)
      tpu.yield
    }) : () -> ()
    return
  }
}

module attributes {stable_mosaic.version = 14 : i64} {
  func.func @_tc_pre_body(%arg0: i32, %arg1: memref<1000x128xf32, #tpu.memory_space<vmem>>, %arg2: memref<128x128xf32, #tpu.memory_space<vmem>>, %arg3: memref<128x128xf32, #tpu.memory_space<vmem>>, %arg4: memref<1x128xf32, #tpu.memory_space<vmem>>, %arg5: memref<1000x128xf32, #tpu.memory_space<vmem>>, %arg6: memref<1000x128xf32, #tpu.memory_space<vmem>>) attributes {dimension_semantics = [#tpu.dimension_semantics<arbitrary>], iteration_bounds = array<i64: 10>, scalar_prefetch = 0 : i64, scratch_operands = 0 : i64, tpu.core_type = #tpu.core_type<tc>, window_params = [{transform_indices = @transform_0, window_bounds = array<i64: 1000, 128>}, {pipeline_mode = #tpu.pipeline_mode<synchronous>, transform_indices = @transform_1, window_bounds = array<i64: 128, 128>}, {pipeline_mode = #tpu.pipeline_mode<synchronous>, transform_indices = @transform_2, window_bounds = array<i64: 128, 128>}, {pipeline_mode = #tpu.pipeline_mode<synchronous>, transform_indices = @transform_3, window_bounds = array<i64: 1, 128>}, {transform_indices = @transform_4, window_bounds = array<i64: 1000, 128>}, {transform_indices = @transform_5, window_bounds = array<i64: 1000, 128>}]} {
    %get3A = arith.constant 0 : index
    %get3A_0 = arith.constant 0 : index
    %get3A_1 = vector.load %arg1[%get3A, %get3A_0] : memref<1000x128xf32, #tpu.memory_space<vmem>>, vector<1000x128xf32>
    %get3A_2 = arith.constant 0 : index
    %get3A_3 = arith.constant 0 : index
    %get3A_4 = vector.load %arg2[%get3A_2, %get3A_3] : memref<128x128xf32, #tpu.memory_space<vmem>>, vector<128x128xf32>
    %dot_general3A = arith.constant dense<0.000000e+00> : vector<1000x128xf32>
    %dot_general3A_5 = tpu.matmul %get3A_1, %get3A_4, %dot_general3A {dimension_numbers = #tpu.dot_dimension_numbers<[1], [0], [0], [1], [0, 0, 1, 1], [], []>, transpose_lhs_hint = false} : vector<1000x128xf32>, vector<128x128xf32>, vector<1000x128xf32> -> vector<1000x128xf32>
    %swap3A = arith.constant 0 : index
    %swap3A_6 = arith.constant 0 : index
    %swap3A_7 = vector.load %arg5[%swap3A, %swap3A_6] : memref<1000x128xf32, #tpu.memory_space<vmem>>, vector<1000x128xf32>
    tpu.vector_store %arg5[%swap3A, %swap3A_6], %dot_general3A_5 {strides = array<i32>} : memref<1000x128xf32, #tpu.memory_space<vmem>>, vector<1000x128xf32>,
    %get3A_8 = arith.constant 0 : index
    %get3A_9 = arith.constant 0 : index
    %get3A_10 = vector.load %arg3[%get3A_8, %get3A_9] : memref<128x128xf32, #tpu.memory_space<vmem>>, vector<128x128xf32>
    %dot_general3A_11 = arith.constant dense<0.000000e+00> : vector<1000x128xf32>
    %dot_general3A_12 = tpu.matmul %get3A_1, %get3A_10, %dot_general3A_11 {dimension_numbers = #tpu.dot_dimension_numbers<[1], [0], [0], [1], [0, 0, 1, 1], [], []>, transpose_lhs_hint = false} : vector<1000x128xf32>, vector<128x128xf32>, vector<1000x128xf32> -> vector<1000x128xf32>
    %get3A_13 = arith.constant 0 : index
    %get3A_14 = arith.constant 0 : index
    %get3A_15 = vector.load %arg4[%get3A_13, %get3A_14] : memref<1x128xf32, #tpu.memory_space<vmem>>, vector<1x128xf32>
    %add3A = vector.broadcast %get3A_15 : vector<1x128xf32> to vector<1000x128xf32>
    %add3A_16 = arith.addf %dot_general3A_12, %add3A : vector<1000x128xf32>
    %swap3A_17 = arith.constant 0 : index
    %swap3A_18 = arith.constant 0 : index
    %swap3A_19 = vector.load %arg6[%swap3A_17, %swap3A_18] : memref<1000x128xf32, #tpu.memory_space<vmem>>, vector<1000x128xf32>
    tpu.vector_store %arg6[%swap3A_17, %swap3A_18], %add3A_16 {strides = array<i32>} : memref<1000x128xf32, #tpu.memory_space<vmem>>, vector<1000x128xf32>,
    return
  }
  func.func @transform_0(%arg0: i32) -> (i32, i32) {
    %c0_i32 = arith.constant 0 : i32
    %c0_i32_0 = arith.constant 0 : i32
    return %arg0, %c0_i32 : i32, i32
  }
  func.func @transform_1(%arg0: i32) -> (i32, i32) {
    %c0_i32 = arith.constant 0 : i32
    %c0_i32_0 = arith.constant 0 : i32
    %c0_i32_1 = arith.constant 0 : i32
    return %c0_i32, %c0_i32_0 : i32, i32
  }
  func.func @transform_2(%arg0: i32) -> (i32, i32) {
    %c0_i32 = arith.constant 0 : i32
    %c0_i32_0 = arith.constant 0 : i32
    %c0_i32_1 = arith.constant 0 : i32
    return %c0_i32, %c0_i32_0 : i32, i32
  }
  func.func @transform_3(%arg0: i32) -> (i32, i32) {
    %c0_i32 = arith.constant 0 : i32
    %c0_i32_0 = arith.constant 0 : i32
    %c0_i32_1 = arith.constant 0 : i32
    return %c0_i32, %c0_i32_0 : i32, i32
  }
  func.func @transform_4(%arg0: i32) -> (i32, i32) {
    %c0_i32 = arith.constant 0 : i32
    %c0_i32_0 = arith.constant 0 : i32
    return %arg0, %c0_i32 : i32, i32
  }
  func.func @transform_5(%arg0: i32) -> (i32, i32) {
    %c0_i32 = arith.constant 0 : i32
    %c0_i32_0 = arith.constant 0 : i32
    return %arg0, %c0_i32 : i32, i32
  }
}

module attributes {stable_mosaic.version = 14 : i64} {
  func.func @_tc_mid_body(%arg0: i32, %arg1: memref<1000x128xf32, #tpu.memory_space<vmem>>, %arg2: memref<1000x128xf32, #tpu.memory_space<vmem>>, %arg3: memref<1000x128xf32, #tpu.memory_space<vmem>>, %arg4: memref<1000x32xf32, #tpu.memory_space<vmem>>, %arg5: memref<128x128xf32, #tpu.memory_space<vmem>>, %arg6: memref<128x128xf32, #tpu.memory_space<vmem>>, %arg7: memref<1x128xf32, #tpu.memory_space<vmem>>, %arg8: memref<1000x128xf32, #tpu.memory_space<vmem>>, %arg9: memref<1000x128xf32, #tpu.memory_space<vmem>>, %arg10: memref<1000x128xf32, #tpu.memory_space<vmem>>) attributes {dimension_semantics = [#tpu.dimension_semantics<arbitrary>], iteration_bounds = array<i64: 10>, scalar_prefetch = 0 : i64, scratch_operands = 0 : i64, tpu.core_type = #tpu.core_type<tc>, window_params = [{transform_indices = @transform_0, window_bounds = array<i64: 1000, 128>}, {transform_indices = @transform_1, window_bounds = array<i64: 1000, 128>}, {transform_indices = @transform_2, window_bounds = array<i64: 1000, 128>}, {transform_indices = @transform_3, window_bounds = array<i64: 1000, 32>}, {pipeline_mode = #tpu.pipeline_mode<synchronous>, transform_indices = @transform_4, window_bounds = array<i64: 128, 128>}, {pipeline_mode = #tpu.pipeline_mode<synchronous>, transform_indices = @transform_5, window_bounds = array<i64: 128, 128>}, {pipeline_mode = #tpu.pipeline_mode<synchronous>, transform_indices = @transform_6, window_bounds = array<i64: 1, 128>}, {transform_indices = @transform_7, window_bounds = array<i64: 1000, 128>}, {transform_indices = @transform_8, window_bounds = array<i64: 1000, 128>}, {transform_indices = @transform_9, window_bounds = array<i64: 1000, 128>}]} {
    %get3A = arith.constant 0 : index
    %get3A_0 = arith.constant 0 : index
    %get3A_1 = vector.load %arg4[%get3A, %get3A_0] : memref<1000x32xf32, #tpu.memory_space<vmem>>, vector<1000x32xf32>
    %reduce_sum3A = arith.constant dense<0.000000e+00> : vector<1000xf32>
    %reduce_sum3A_2 = vector.multi_reduction <add>, %get3A_1, %reduce_sum3A [1] : vector<1000x32xf32> to vector<1000xf32>
    %broadcast_in_dim3A = vector.shape_cast %reduce_sum3A_2 : vector<1000xf32> to vector<1000x1xf32>
    %max3A = arith.constant 1.000000e+00 : f32
    %max3A_3 = vector.broadcast %max3A : f32 to vector<1000x1xf32>
    %max3A_4 = arith.maximumf %broadcast_in_dim3A, %max3A_3 : vector<1000x1xf32>
    %div3A = arith.constant 1.000000e+00 : f32
    %div3A_5 = vector.broadcast %div3A : f32 to vector<1000x1xf32>
    %div3A_6 = arith.divf %div3A_5, %max3A_4 : vector<1000x1xf32>
    %get3A_7 = arith.constant 0 : index
    %get3A_8 = arith.constant 0 : index
    %get3A_9 = vector.load %arg1[%get3A_7, %get3A_8] : memref<1000x128xf32, #tpu.memory_space<vmem>>, vector<1000x128xf32>
    %get3A_10 = arith.constant 0 : index
    %get3A_11 = arith.constant 0 : index
    %get3A_12 = vector.load %arg2[%get3A_10, %get3A_11] : memref<1000x128xf32, #tpu.memory_space<vmem>>, vector<1000x128xf32>
    %get3A_13 = arith.constant 0 : index
    %get3A_14 = arith.constant 0 : index
    %get3A_15 = vector.load %arg3[%get3A_13, %get3A_14] : memref<1000x128xf32, #tpu.memory_space<vmem>>, vector<1000x128xf32>
    %add3A = arith.addf %get3A_12, %get3A_15 : vector<1000x128xf32>
    %mul3A = vector.broadcast %div3A_6 : vector<1000x1xf32> to vector<1000x128xf32>
    %mul3A_16 = arith.mulf %add3A, %mul3A : vector<1000x128xf32>
    %add3A_17 = arith.addf %get3A_9, %mul3A_16 : vector<1000x128xf32>
    %max3A_18 = arith.constant 0.000000e+00 : f32
    %max3A_19 = vector.broadcast %max3A_18 : f32 to vector<1000x128xf32>
    %max3A_20 = arith.maximumf %add3A_17, %max3A_19 : vector<1000x128xf32>
    %get3A_21 = arith.constant 0 : index
    %get3A_22 = arith.constant 0 : index
    %get3A_23 = vector.load %arg5[%get3A_21, %get3A_22] : memref<128x128xf32, #tpu.memory_space<vmem>>, vector<128x128xf32>
    %dot_general3A = arith.constant dense<0.000000e+00> : vector<1000x128xf32>
    %dot_general3A_24 = tpu.matmul %max3A_20, %get3A_23, %dot_general3A {dimension_numbers = #tpu.dot_dimension_numbers<[1], [0], [0], [1], [0, 0, 1, 1], [], []>, transpose_lhs_hint = false} : vector<1000x128xf32>, vector<128x128xf32>, vector<1000x128xf32> -> vector<1000x128xf32>
    %swap3A = arith.constant 0 : index
    %swap3A_25 = arith.constant 0 : index
    %swap3A_26 = vector.load %arg8[%swap3A, %swap3A_25] : memref<1000x128xf32, #tpu.memory_space<vmem>>, vector<1000x128xf32>
    tpu.vector_store %arg8[%swap3A, %swap3A_25], %dot_general3A_24 {strides = array<i32>} : memref<1000x128xf32, #tpu.memory_space<vmem>>, vector<1000x128xf32>,
    %get3A_27 = arith.constant 0 : index
    %get3A_28 = arith.constant 0 : index
    %get3A_29 = vector.load %arg6[%get3A_27, %get3A_28] : memref<128x128xf32, #tpu.memory_space<vmem>>, vector<128x128xf32>
    %dot_general3A_30 = arith.constant dense<0.000000e+00> : vector<1000x128xf32>
    %dot_general3A_31 = tpu.matmul %max3A_20, %get3A_29, %dot_general3A_30 {dimension_numbers = #tpu.dot_dimension_numbers<[1], [0], [0], [1], [0, 0, 1, 1], [], []>, transpose_lhs_hint = false} : vector<1000x128xf32>, vector<128x128xf32>, vector<1000x128xf32> -> vector<1000x128xf32>
    %get3A_32 = arith.constant 0 : index
    %get3A_33 = arith.constant 0 : index
    %get3A_34 = vector.load %arg7[%get3A_32, %get3A_33] : memref<1x128xf32, #tpu.memory_space<vmem>>, vector<1x128xf32>
    %add3A_35 = vector.broadcast %get3A_34 : vector<1x128xf32> to vector<1000x128xf32>
    %add3A_36 = arith.addf %dot_general3A_31, %add3A_35 : vector<1000x128xf32>
    %swap3A_37 = arith.constant 0 : index
    %swap3A_38 = arith.constant 0 : index
    %swap3A_39 = vector.load %arg9[%swap3A_37, %swap3A_38] : memref<1000x128xf32, #tpu.memory_space<vmem>>, vector<1000x128xf32>
    tpu.vector_store %arg9[%swap3A_37, %swap3A_38], %add3A_36 {strides = array<i32>} : memref<1000x128xf32, #tpu.memory_space<vmem>>, vector<1000x128xf32>,
    %broadcast_in_dim3A_40 = vector.shape_cast %div3A_6 : vector<1000x1xf32> to vector<1000x1xf32>
    %broadcast_in_dim3A_41 = vector.broadcast %broadcast_in_dim3A_40 : vector<1000x1xf32> to vector<1000x128xf32>
    %swap3A_42 = arith.constant 0 : index
    %swap3A_43 = arith.constant 0 : index
    %swap3A_44 = vector.load %arg10[%swap3A_42, %swap3A_43] : memref<1000x128xf32, #tpu.memory_space<vmem>>, vector<1000x128xf32>
    tpu.vector_store %arg10[%swap3A_42, %swap3A_43], %broadcast_in_dim3A_41 {strides = array<i32>} : memref<1000x128xf32, #tpu.memory_space<vmem>>, vector<1000x128xf32>,
    return
  }
  func.func @transform_0(%arg0: i32) -> (i32, i32) {
    %c0_i32 = arith.constant 0 : i32
    %c0_i32_0 = arith.constant 0 : i32
    return %arg0, %c0_i32 : i32, i32
  }
  func.func @transform_1(%arg0: i32) -> (i32, i32) {
    %c0_i32 = arith.constant 0 : i32
    %c0_i32_0 = arith.constant 0 : i32
    return %arg0, %c0_i32 : i32, i32
  }
  func.func @transform_2(%arg0: i32) -> (i32, i32) {
    %c0_i32 = arith.constant 0 : i32
    %c0_i32_0 = arith.constant 0 : i32
    return %arg0, %c0_i32 : i32, i32
  }
  func.func @transform_3(%arg0: i32) -> (i32, i32) {
    %c0_i32 = arith.constant 0 : i32
    %c0_i32_0 = arith.constant 0 : i32
    return %arg0, %c0_i32 : i32, i32
  }
  func.func @transform_4(%arg0: i32) -> (i32, i32) {
    %c0_i32 = arith.constant 0 : i32
    %c0_i32_0 = arith.constant 0 : i32
    %c0_i32_1 = arith.constant 0 : i32
    return %c0_i32, %c0_i32_0 : i32, i32
  }
  func.func @transform_5(%arg0: i32) -> (i32, i32) {
    %c0_i32 = arith.constant 0 : i32
    %c0_i32_0 = arith.constant 0 : i32
    %c0_i32_1 = arith.constant 0 : i32
    return %c0_i32, %c0_i32_0 : i32, i32
  }
  func.func @transform_6(%arg0: i32) -> (i32, i32) {
    %c0_i32 = arith.constant 0 : i32
    %c0_i32_0 = arith.constant 0 : i32
    %c0_i32_1 = arith.constant 0 : i32
    return %c0_i32, %c0_i32_0 : i32, i32
  }
  func.func @transform_7(%arg0: i32) -> (i32, i32) {
    %c0_i32 = arith.constant 0 : i32
    %c0_i32_0 = arith.constant 0 : i32
    return %arg0, %c0_i32 : i32, i32
  }
  func.func @transform_8(%arg0: i32) -> (i32, i32) {
    %c0_i32 = arith.constant 0 : i32
    %c0_i32_0 = arith.constant 0 : i32
    return %arg0, %c0_i32 : i32, i32
  }
  func.func @transform_9(%arg0: i32) -> (i32, i32) {
    %c0_i32 = arith.constant 0 : i32
    %c0_i32_0 = arith.constant 0 : i32
    return %arg0, %c0_i32 : i32, i32
  }
}

module attributes {stable_mosaic.version = 14 : i64} {
  func.func @_tc_post_body(%arg0: i32, %arg1: memref<1000x128xf32, #tpu.memory_space<vmem>>, %arg2: memref<1000x128xf32, #tpu.memory_space<vmem>>, %arg3: memref<1000x128xf32, #tpu.memory_space<vmem>>, %arg4: memref<1000x128xf32, #tpu.memory_space<vmem>>, %arg5: memref<1000x128xf32, #tpu.memory_space<vmem>>) attributes {dimension_semantics = [#tpu.dimension_semantics<arbitrary>], iteration_bounds = array<i64: 10>, scalar_prefetch = 0 : i64, scratch_operands = 0 : i64, tpu.core_type = #tpu.core_type<tc>, window_params = [{transform_indices = @transform_0, window_bounds = array<i64: 1000, 128>}, {transform_indices = @transform_1, window_bounds = array<i64: 1000, 128>}, {transform_indices = @transform_2, window_bounds = array<i64: 1000, 128>}, {transform_indices = @transform_3, window_bounds = array<i64: 1000, 128>}, {transform_indices = @transform_4, window_bounds = array<i64: 1000, 128>}]} {
    %get3A = arith.constant 0 : index
    %get3A_0 = arith.constant 0 : index
    %get3A_1 = vector.load %arg1[%get3A, %get3A_0] : memref<1000x128xf32, #tpu.memory_space<vmem>>, vector<1000x128xf32>
    %get3A_2 = arith.constant 0 : index
    %get3A_3 = arith.constant 0 : index
    %get3A_4 = vector.load %arg2[%get3A_2, %get3A_3] : memref<1000x128xf32, #tpu.memory_space<vmem>>, vector<1000x128xf32>
    %get3A_5 = arith.constant 0 : index
    %get3A_6 = arith.constant 0 : index
    %get3A_7 = vector.load %arg3[%get3A_5, %get3A_6] : memref<1000x128xf32, #tpu.memory_space<vmem>>, vector<1000x128xf32>
    %add3A = arith.addf %get3A_4, %get3A_7 : vector<1000x128xf32>
    %get3A_8 = arith.constant 0 : index
    %get3A_9 = arith.constant 0 : index
    %get3A_10 = vector.load %arg4[%get3A_8, %get3A_9] : memref<1000x128xf32, #tpu.memory_space<vmem>>, vector<1000x128xf32>
    %mul3A = arith.mulf %add3A, %get3A_10 : vector<1000x128xf32>
    %add3A_11 = arith.addf %get3A_1, %mul3A : vector<1000x128xf32>
    %swap3A = arith.constant 0 : index
    %swap3A_12 = arith.constant 0 : index
    %swap3A_13 = vector.load %arg5[%swap3A, %swap3A_12] : memref<1000x128xf32, #tpu.memory_space<vmem>>, vector<1000x128xf32>
    tpu.vector_store %arg5[%swap3A, %swap3A_12], %add3A_11 {strides = array<i32>} : memref<1000x128xf32, #tpu.memory_space<vmem>>, vector<1000x128xf32>,
    return
  }
  func.func @transform_0(%arg0: i32) -> (i32, i32) {
    %c0_i32 = arith.constant 0 : i32
    %c0_i32_0 = arith.constant 0 : i32
    return %arg0, %c0_i32 : i32, i32
  }
  func.func @transform_1(%arg0: i32) -> (i32, i32) {
    %c0_i32 = arith.constant 0 : i32
    %c0_i32_0 = arith.constant 0 : i32
    return %arg0, %c0_i32 : i32, i32
  }
  func.func @transform_2(%arg0: i32) -> (i32, i32) {
    %c0_i32 = arith.constant 0 : i32
    %c0_i32_0 = arith.constant 0 : i32
    return %arg0, %c0_i32 : i32, i32
  }
  func.func @transform_3(%arg0: i32) -> (i32, i32) {
    %c0_i32 = arith.constant 0 : i32
    %c0_i32_0 = arith.constant 0 : i32
    return %arg0, %c0_i32 : i32, i32
  }
  func.func @transform_4(%arg0: i32) -> (i32, i32) {
    %c0_i32 = arith.constant 0 : i32
    %c0_i32_0 = arith.constant 0 : i32
    return %arg0, %c0_i32 : i32, i32
  }
}

</mosaic_0001>

<sc_bundles>
// kernel: kernel.10.cloned.1.call-start
scs
__scs_entry_jumppad:
0x0: {  	(pc) =	sbr.rel $0x88, $3  }
0x1: {  	(tag) =	ssettag $0x0;
	lr =	simm.s32 $0x1  }
0x2: {  	[smem:$0x3F99] =	sst lr;
	_ =	strace $0xD0000000  }
0x3: {  	_ = 	snop  }
0x4: {  	_ = 	snop  }
0x5: {  	_ = 	snop  }
0x6: {  	_ = 	snop  }
0x7: {  	_ = 	snop  }
__scs_overlays_trampoline_lowered:
0x8: {  	[smem:$0x3FA8] =	sst s0  }
0x9: {  	[smem:$0x3FA9] =	sst s1  }
0xa: {  	[smem:$0x3FAA] =	sst s2  }
0xb: {  	[smem:$0x3FAB] =	sst s3  }
0xc: {  	[smem:$0x3FAC] =	sst s4  }
0xd: {  	[smem:$0x3FAD] =	sst s5  }
0xe: {  	[smem:$0x3FAE] =	sst s6  }
0xf: {  	[smem:$0x3FAF] =	sst s7  }
0x10: {  	[smem:$0x3FB0] =	sst s8  }
0x11: {  	[smem:$0x3FB1] =	sst s9;
	s0 =	simm.s32 @!p0 $0x0  }
0x12: {  	s1 =	sld [smem:$0x3F97];
	s0 =	simm.s32 @p0 $0x1  }
0x13: {  	[smem:$0x3FB2] =	sst s0;
	s0 =	simm.s32 @!p1 $0x0  }
0x14: {  	s2 =	sld [smem:$0x3F96];
	s0 =	simm.s32 @p1 $0x1  }
0x15: {  	[smem:$0x3FB3] =	sst s0;
	s0 =	simm.s32 @!p2 $0x0  }
0x16: {  	s3 =	sld [smem:$0x3FDB];
	s0 =	simm.s32 @p2 $0x1  }
0x17: {  	s4 =	simm.s32 $0x1BF5;
	[smem:$0x3FB5] =	sst s0  }
0x18: {  	s0 =	sld [smem:$0x3F98];
	_ =	swait.ge [sflag:s4], $0x0  }
0x19: {  	s7 =	sld [smem:$0x3F99]  }
0x1a: {  	s8 =	sadd.s32 $0xFFFFE003, lr  }
0x1b: {  	s9 =	sadd.s32 $0xFFFFFEF7, lr;
	s5 =	simm.s32 $0xFFFFFFFF;
	p2 =	slt.u32 s8, $0xFFFFF086  }
0x1c: {  	p1 =	slt.u32 s9, $0xF7A;
	s5 =	simm.s32 @!p2 $0x0  }
0x1d: {  	s5 =	simm.s32 @p1 $0x1;
	p0 =	seq.s32 s7, s2  }
0x1e: {  	s7 =	smul.u32 @!p0 $0xF7A, s2;
	p2 =	seq.s32 @!p0 s5, $0x0  }
0x1f: {  	s9 =	smul.u32 $0xF7A, s1;
	s8 =	simm.s32 @!p0 $0x1BF5;
	p2 =	por !p2, p0  }
0x20: {  	[sflag:s8] =	ssyncset.s32 @!p0 $0xFFFFF086;
	s6 =	sadd.s32 @!p0 s3, s7;
	s7 =	simm.s32 @!p0 $0x108  }
0x21: {  	s3 =	sadd.s32 s3, s9;
	s6 =	sadd.s32 @!p0 $0x88, s6;
	s7 =	simm.s32 @p2 $0x1082  }
0x22: {  	[simem:s7], [sflag:s8] =	dma.local @!p0 [hbm:s6], $0xF7A  }
0x23: {  	s9 =	sor.u32 $0xD0000000, s2;
	s6 =	simm.s32 $0x108;
	_ =	swait.ge @!p0 [sflag:s8], $0x0  }
0x24: {  	s3 =	sadd.s32 $0x88, s3;
	s6 =	simm.s32 @!p1 $0x1082;
	[sflag:s4] =	ssyncset.s32 $0xFFFFF086  }
0x25: {  	[simem:s6], [sflag:s4] =	dma.local [hbm:s3], $0xF7A  }
0x26: {  	[smem:$0x3F99] =	sst s1;
	(tag) =	ssettag s2;
	_ =	strace s9  }
0x27: {  	s1 =	sld [smem:$0x3FA9]  }
0x28: {  	s2 =	sld [smem:$0x3FAA]  }
0x29: {  	s4 =	sld [smem:$0x3FAC]  }
0x2a: {  	p0 =	seq.s32 s5, $0x0;
	s5 =	sld [smem:$0x3FAD]  }
0x2b: {  	s6 =	sld [smem:$0x3FAE]  }
0x2c: {  	s7 =	sld [smem:$0x3FAF]  }
0x2d: {  	s3 =	simm.s32 $0x108;
	s8 =	sld [smem:$0x3FB0]  }
0x2e: {  	s3 =	simm.s32 @!p0 $0x1082;
	s9 =	sld [smem:$0x3FB1]  }
0x2f: {  	lr =	sadd.s32 s0, s3;
	s0 =	sld [smem:$0x3FA8]  }
0x30: {  	s3 =	sld [smem:$0x3FAB]  }
0x31: {  	[smem:$0x3FB4] =	sst s10  }
0x32: {  	s10 =	sld [smem:$0x3FB2];
	_ =	sdelay $0x3  }
0x33: {  	p0 =	seq.s32 s10, $0x1;
	s10 =	sld [smem:$0x3FB4];
	_ =	sdelay $0x3  }
0x34: {  	[smem:$0x3FB4] =	sst s10  }
0x35: {  	s10 =	sld [smem:$0x3FB3];
	_ =	sdelay $0x3  }
0x36: {  	p1 =	seq.s32 s10, $0x1;
	s10 =	sld [smem:$0x3FB4];
	_ =	sdelay $0x3  }
0x37: {  	[smem:$0x3FB4] =	sst s10  }
0x38: {  	s10 =	sld [smem:$0x3FB5]  }
0x39: {  	_ = 	snop;
	(pc) =	sbr.ind lr, $3  }
0x3a: {  	_ = 	snop  }
0x3b: {  	_ = 	snop  }
0x3c: {  	p2 =	seq.s32 s10, $0x1;
	s10 =	sld [smem:$0x3FB4]  }
0x3d: {  	_ =	shalt  }
0x3e: {  	_ =	shalt  }
0x3f: {  	_ =	shalt  }
0x40: {  	_ =	shalt  }
0x41: {  	_ =	shalt  }
0x42: {  	_ =	shalt  }
0x43: {  	_ =	shalt  }
0x44: {  	_ =	shalt  }
0x45: {  	_ =	shalt  }
0x46: {  	_ =	shalt  }
0x47: {  	_ =	shalt  }
0x48: {  	_ =	shalt  }
0x49: {  	_ =	shalt  }
0x4a: {  	_ =	shalt  }
0x4b: {  	_ =	shalt  }
0x4c: {  	_ =	shalt  }
0x4d: {  	_ =	shalt  }
0x4e: {  	_ =	shalt  }
0x4f: {  	_ =	shalt  }
0x50: {  	_ =	shalt  }
0x51: {  	_ =	shalt  }
0x52: {  	_ =	shalt  }
0x53: {  	_ =	shalt  }
0x54: {  	_ =	shalt  }
0x55: {  	_ =	shalt  }
0x56: {  	_ =	shalt  }
0x57: {  	_ =	shalt  }
0x58: {  	_ =	shalt  }
0x59: {  	_ =	shalt  }
0x5a: {  	_ =	shalt  }
0x5b: {  	_ =	shalt  }
0x5c: {  	_ =	shalt  }
0x5d: {  	_ =	shalt  }
0x5e: {  	_ =	shalt  }
0x5f: {  	_ =	shalt  }
0x60: {  	_ =	shalt  }
0x61: {  	_ =	shalt  }
0x62: {  	_ =	shalt  }
0x63: {  	_ =	shalt  }
0x64: {  	_ =	shalt  }
0x65: {  	_ =	shalt  }
0x66: {  	_ =	shalt  }
0x67: {  	_ =	shalt  }
0x68: {  	_ =	shalt  }
0x69: {  	_ =	shalt  }
0x6a: {  	_ =	shalt  }
0x6b: {  	_ =	shalt  }
0x6c: {  	_ =	shalt  }
0x6d: {  	_ =	shalt  }
0x6e: {  	_ =	shalt  }
0x6f: {  	_ =	shalt  }
0x70: {  	_ =	shalt  }
0x71: {  	_ =	shalt  }
0x72: {  	_ =	shalt  }
0x73: {  	_ =	shalt  }
0x74: {  	_ =	shalt  }
0x75: {  	_ =	shalt  }
0x76: {  	_ =	shalt  }
0x77: {  	_ =	shalt  }
0x78: {  	_ =	shalt  }
0x79: {  	_ =	shalt  }
0x7a: {  	_ =	shalt  }
0x7b: {  	_ =	shalt  }
0x7c: {  	_ =	shalt  }
0x7d: {  	_ =	shalt  }
0x7e: {  	_ =	shalt  }
0x7f: {  	_ =	shalt  }
0x80: {  	_ =	shalt  }
0x81: {  	_ =	shalt  }
0x82: {  	_ =	shalt  }
0x83: {  	_ =	shalt  }
0x84: {  	_ =	shalt  }
0x85: {  	_ =	shalt  }
0x86: {  	_ =	shalt  }
0x87: {  	_ =	shalt  }
.Lfunc_end0:
.L_simem_size_0:
called_computation.1_lowered:
.L_overlay_start_0:
0x88: {  	s2 =	sld [smem:$0x3FD9]  }
0x89: {  	s3 =	sld [smem:$0x3FFE];
	_ =	sdelay $0x1  }
0x8a: {  	s1 =	srdreg.scid  }
0x8b: {  	s0 =	sand.u32 $0x1, s1  }
0x8c: {  	s17 =	sshll.u32 s0, $0xA;
	s2 =	sadd.s32 s3, s2  }
0x8d: {  	s2 =	sadd.s32 s2, s17  }
0x8e: {  	[smem:$0x3FC0] =	sst s2  }
0x8f: {  	_ = 	snop  }
0x90: {  	s2 =	sld [smem:$0x3FD0];
	(tm) =	ssettm $0x1  }
0x91: {  	s18 =	sld [smem:$0x3FFB];
	_ =	sdelay $0x3  }
0x92: {  	_ =	strace s18  }
0x93: {  	s3 =	sld [smem:$0x3FFC];
	_ =	sdelay $0x3  }
0x94: {  	_ =	strace s3  }
0x95: {  	s3 =	sld [smem:$0x3FFD];
	_ =	sdelay $0x3  }
0x96: {  	_ =	strace s3  }
0x97: {  	_ =	strace $0x8FFFFFFF  }
0x98: {  	s19 =	sld [smem:$0x3FDB];
	_ =	sdelay $0x1  }
0x99: {  	s4 =	simm.s32 $_scs_section_size  }
0x9a: {  	s5 =	simm.s32 $_size__tile_overlayer_lowered;
	s6 =	simm.s32 $_tile_overlayer_lowered  }
0x9b: {  	s22 =	simm.s32 $0x1BFF;
	s21 =	sshll.u32 s6, $0x1;
	s3 =	sadd.s32 s4, s19  }
0x9c: {  	s7 =	simm.s32 $0x0;
	s20 =	sshll.u32 s5, $0x1;
	s5 =	sadd.s32 s21, s3  }
0x9d: {  	[timem:s7], [sflag:s22] =	dma.local [hbm:s5], s20  }
0x9e: {  	_ =	swait.ge [sflag:s22], s20  }
0x9f: {  	s4 =	ssub.s32 $0x0, s20;
	[sflag:s22] =	ssyncset.done $0x0  }
0xa0: {  	[sflag:s22] =	ssyncadd.s32 s4;
	_ =	sdelay $0x1  }
0xa1: {  	s23 =	simm.s32 $0x1B8B  }
0xa2: {  	_ =	swait.ge [sflag:s23], $0x1  }
0xa3: {  	[sflag:s23] =	ssyncset.done $0x0  }
0xa4: {  	s25 =	simm.s32 $0x1B8E;
	s24 =	sld [smem:$0x3FFE];
	[sflag:s23] =	ssyncadd.s32 $0xFFFFFFFF  }
0xa5: {  	s26 =	simm.s32 $execute0_lowered;
	[smem:$0x3FD2] =	sst s25  }
0xa6: {  	s5 =	sshll.u32 s26, $0x1;
	_ =	strace $0x80000049;
	[dreg:$0x1] =	wrdreg $0xFFFFFFFF  }
0xa7: {  	s28 =	simm.s32 $_size_execute0_lowered;
	s3 =	sadd.s32 s3, s5;
	[dreg:$0x0] =	wrdreg $0x0  }
0xa8: {  	s5 =	sshll.u32 s28, $0x1;
	[dreg:$0x2] =	wrdreg s3  }
0xa9: {  	[dreg:$0x3] =	wrdreg s5  }
0xaa: {  	[dreg:$0x4] =	wrdreg $0xC0  }
0xab: {  	_ =	task [dreg:s7], $0x5FFFF  }
0xac: {  	[dreg:$0x1] =	wrdreg $0xFFFFFFFF  }
0xad: {  	[dreg:$0x0] =	wrdreg $0x60  }
0xae: {  	[dreg:$0x2] =	wrdreg s2  }
0xaf: {  	[dreg:$0x3] =	wrdreg s24  }
0xb0: {  	[dreg:$0x4] =	wrdreg $0x82000  }
0xb1: {  	[dreg:$0x5] =	wrdreg $0x9  }
0xb2: {  	_ =	task.clear_ibuf [dreg:s7], $0x6FFFF;
	_ =	strace $0x90000049  }
0xb3: {  	s29 =	simm.s32 $0x9;
	_ =	strace $0x8000004B  }
0xb4: {  	_ =	swait.ge [sflag:s29], $0x1  }
0xb5: {  	[sflag:s29] =	ssyncadd.s32 $0xFFFFFFFF  }
0xb6: {  	_ =	strace $0x9000004B  }
0xb7: {  	_ =	sfence  }
0xb8: {  	s30 =	sld [smem:$0x0];
	_ =	sdelay $0x2  }
0xb9: {  	s31 =	sshll.u32 s1, $0xD;
	s1 =	sshrl.u32 s1, $0x2  }
0xba: {  	s3 =	sand.u32 $0x4000, s31;
	s1 =	sadd.s32 s1, s30  }
0xbb: {  	s0 =	sor.u32 s3, s0;
	s1 =	sshll.u32 s1, $0x11  }
0xbc: {  	s0 =	sor.u32 s1, s0  }
0xbd: {  	s0 =	sadd.s32 $0x8F2B, s0  }
0xbe: {  	[sflag:s0] =	ssyncadd.remote.s32 $0x1  }
0xbf: {  	_ =	sfence.sel $0xFFFF  }
0xc0: {  	[dreg:$0x0] =	wrdreg $0xFFFFFFFF;
	(pc) =	sbr.abs _section_cstart, $3  }
0xc1: {  	[dreg:$0x1] =	wrdreg $0xFFFFFFFF  }
0xc2: {  	_ =	task.clear_ibuf [dreg:s7], $0x2FFFF;
	_ =	strace $0x9FFFFFFF  }
0xc3: {  	(tm) =	ssettm $0x7FFFFFFF  }
tec
execute0_lowered:
.L_overlay_start_1:
0x0: {  	(tag) =	ssettag $0x1  }
0x1: {  	s0 =	srdreg.scid  }
0x2: {  	s21 =	stileid.u32;
	s3 =	rddreg [dreg:$0x1];
	s1 =	simm.s32 $0x0  }
0x3: {  	s30 =	simm.s32 $0x200;
	s31 =	simm.s32 $0x3;
	s0 =	sand.u32 $0x1, s0  }
0x4: {  	s2 =	sshll.u32 s21, $0x1;
	[smem:$0x7FF] =	sst s1;
	s25 =	smul.u32 $0x280, s21  }
0x5: {  	s4 =	sadd.s32 $0xC000, s3;
	s13 =	smul.u32 $0x2800, s21;
	s2 =	sor.u32 s0, s2  }
0x6: {  	s5 =	sadd.s32 $0x2000, s3;
	s6 =	sadd.s32 $0x16000, s3;
	s2 =	smul.u32 $0x2800, s2  }
0x7: {  	s3 =	sadd.s32 $0x3E000, s3;
	s7 =	ssub.s32 $0x2, s0;
	s0 =	smul.u32 $0x2800, s0  }
0x8: {  	s8 =	sshrl.u32 s7, $0x1;
	s18 =	sadd.s32 $0x100, s25;
	s2 =	sshrl.u32 s2, $0x3  }
0x9: {  	s26 =	sadd.s32 $0x200, s25;
	s7 =	ssub.s32 s7, s8;
	s10 =	sadd.s32 s4, s2  }
0xa: {  	s9 =	sadd.s32 $0x4F0, s2;
	s2 =	sadd.s32 s5, s2;
	[dreg:$0x4] =	wrdreg s10  }
0xb: {  	s16 =	sshll.u32 s18, $0x4;
	[dreg:$0x5] =	wrdreg s2;
	s11 =	sadd.s32 s4, s9  }
0xc: {  	s8 =	sadd.s32 s0, s25;
	s12 =	sadd.s32 s5, s9;
	[dreg:$0x6] =	wrdreg s11  }
0xd: {  	s9 =	sadd.s32 $0x80, s25;
	s2 =	sadd.s32 s6, s13;
	[dreg:$0x7] =	wrdreg s12  }
0xe: {  	s19 =	sshll.u32 s8, $0x4;
	s14 =	sshll.u32 s9, $0x4;
	[dreg:$0x8] =	wrdreg s2  }
0xf: {  	s2 =	sadd.s32 s6, s16;
	s11 =	sshll.u32 s26, $0x4;
	s20 =	sadd.s32 s0, s9  }
0x10: {  	s12 =	sadd.s32 s0, s18;
	s15 =	sadd.s32 s6, s14;
	[dreg:$0xa] =	wrdreg s2  }
0x11: {  	s2 =	sadd.s32 $0x180, s25;
	s22 =	sshll.u32 s20, $0x4;
	s20 =	rddreg [dreg:$0x2]  }
0x12: {  	s14 =	smul.u32 $0x5000, s21;
	s23 =	sshll.u32 s12, $0x4;
	[dreg:$0x9] =	wrdreg s15  }
0x13: {  	s17 =	sshll.u32 s2, $0x4;
	s12 =	sadd.s32 s3, s22;
	s13 =	sadd.s32 s3, s23  }
0x14: {  	s25 =	sadd.s32 s0, s2;
	s2 =	sshll.u32 s2, $0x7;
	s10 =	sadd.s32 s6, s17  }
0x15: {  	s6 =	sadd.s32 s6, s11;
	s24 =	sadd.s32 s0, s14;
	s0 =	sadd.s32 s0, s26  }
0x16: {  	s8 =	sshll.u32 s25, $0x4;
	s11 =	sshll.u32 s18, $0x7;
	s18 =	sshll.u32 s26, $0x7  }
0x17: {  	s28 =	sadd.s32 s2, s20;
	s2 =	simm.s32 $0x180;
	[dreg:$0xb] =	wrdreg s10  }
0x18: {  	[dreg:$0xc] =	wrdreg s6;
	s6 =	sadd.s32 s3, s19;
	s14 =	sor.u32 $0x100, s24  }
0x19: {  	s0 =	sshll.u32 s0, $0x4;
	s19 =	rddreg [dreg:$0x0];
	s10 =	sshll.u32 s9, $0x7  }
0x1a: {  	s26 =	sadd.s32 s11, s20;
	s29 =	sadd.s32 s18, s20;
	s18 =	simm.s32 $0x80  }
0x1b: {  	[dreg:$0xd] =	wrdreg s6;
	s17 =	sshrl.u32 s14, $0x3;
	s14 =	sadd.s32 s3, s8  }
0x1c: {  	s15 =	sadd.s32 s3, s0;
	s3 =	sor.u32 $0x80, s24;
	s6 =	smul.u32 $0x50000, s21  }
0x1d: {  	s24 =	smax.u32 s7, $0x1;
	s25 =	sadd.s32 s10, s20;
	s16 =	sadd.s32 s17, s5  }
0x1e: {  	s17 =	sadd.s32 s17, s4;
	s0 =	sshrl.u32 s3, $0x3;
	_ =	strace $0x8000004A  }
0x1f: {  	s3 =	simm.s32 $0x4200;
	s21 =	sadd.s32 s0, s5;
	s22 =	sadd.s32 s0, s4  }
0x20: {  	s8 =	sshrl.u32 s6, $0x2;
	s0 =	simm.s32 $0x100;
	s4 =	simm.s32 $0x1  }
0x21: {  	s5 =	simm.s32 $0x2;
	s6 =	simm.s32 $0x0;
	s23 =	sadd.s32 s8, s20  }
.LBB2_1:
0x22: {  	s7 =	rddreg [dreg:$0x8]  }
0x23: {  	[tilespmem:s30], [sflag:$0x3] =	stream.linear.gather [hbm4b:s7+s1], $0x4000, $0x38;
	[tilespmem:$0x1C200] =	vst v63  }
0x24: {  	_ =	swait.ge [sflag:s31], $0x4000  }
0x25: {  	[sflag:s31] =	ssyncset.done $0x0  }
0x26: {  	[sflag:s31] =	ssyncadd.s32 $0xFFFFC000  }
0x27: {  	[spmem:s23] =	stream.linear.scatter [tilespmem:s30], [sflag:$0x3], $0x4000, $0x38;
	[tilespmem:$0x1C200] =	vst v63  }
0x28: {  	_ =	swait.ge [sflag:s31], $0x4000  }
0x29: {  	[sflag:s31] =	ssyncset.done $0x0  }
0x2a: {  	s10 =	rddreg [dreg:$0x9];
	[sflag:s31] =	ssyncadd.s32 $0xFFFFC000  }
0x2b: {  	[tilespmem:s30], [sflag:$0x3] =	stream.linear.gather [hbm4b:s10+s1], $0x4000, $0x38;
	[tilespmem:$0x1C200] =	vst v63  }
0x2c: {  	_ =	swait.ge [sflag:s31], $0x4000  }
0x2d: {  	[sflag:s31] =	ssyncset.done $0x0  }
0x2e: {  	[sflag:s31] =	ssyncadd.s32 $0xFFFFC000  }
0x2f: {  	[spmem:s25] =	stream.linear.scatter [tilespmem:s30], [sflag:$0x3], $0x4000, $0x38;
	[tilespmem:$0x1C200] =	vst v63  }
0x30: {  	_ =	swait.ge [sflag:s31], $0x4000  }
0x31: {  	[sflag:s31] =	ssyncset.done $0x0  }
0x32: {  	s11 =	rddreg [dreg:$0xa];
	[sflag:s31] =	ssyncadd.s32 $0xFFFFC000  }
0x33: {  	[tilespmem:s30], [sflag:$0x3] =	stream.linear.gather [hbm4b:s11+s1], $0x4000, $0x38;
	[tilespmem:$0x1C200] =	vst v63  }
0x34: {  	_ =	swait.ge [sflag:s31], $0x4000  }
0x35: {  	[sflag:s31] =	ssyncset.done $0x0  }
0x36: {  	[sflag:s31] =	ssyncadd.s32 $0xFFFFC000  }
0x37: {  	[spmem:s26] =	stream.linear.scatter [tilespmem:s30], [sflag:$0x3], $0x4000, $0x38;
	[tilespmem:$0x1C200] =	vst v63  }
0x38: {  	_ =	swait.ge [sflag:s31], $0x4000  }
0x39: {  	[sflag:s31] =	ssyncset.done $0x0  }
0x3a: {  	s8 =	rddreg [dreg:$0xb];
	[sflag:s31] =	ssyncadd.s32 $0xFFFFC000  }
0x3b: {  	[tilespmem:s30], [sflag:$0x3] =	stream.linear.gather [hbm4b:s8+s1], $0x4000, $0x38;
	[tilespmem:$0x1C200] =	vst v63  }
0x3c: {  	_ =	swait.ge [sflag:s31], $0x4000  }
0x3d: {  	[sflag:s31] =	ssyncset.done $0x0  }
0x3e: {  	[sflag:s31] =	ssyncadd.s32 $0xFFFFC000  }
0x3f: {  	[spmem:s28] =	stream.linear.scatter [tilespmem:s30], [sflag:$0x3], $0x4000, $0x38;
	[tilespmem:$0x1C200] =	vst v63  }
0x40: {  	_ =	swait.ge [sflag:s31], $0x4000  }
0x41: {  	[sflag:s31] =	ssyncset.done $0x0  }
0x42: {  	s9 =	rddreg [dreg:$0xc];
	[sflag:s31] =	ssyncadd.s32 $0xFFFFC000  }
0x43: {  	[tilespmem:s30], [sflag:$0x3] =	stream.linear.gather [hbm4b:s9+s1], $0x4000, $0x38;
	[tilespmem:$0x1C200] =	vst v63  }
0x44: {  	_ =	swait.ge [sflag:s31], $0x4000  }
0x45: {  	[sflag:s31] =	ssyncset.done $0x0  }
0x46: {  	[sflag:s31] =	ssyncadd.s32 $0xFFFFC000  }
0x47: {  	[spmem:s29] =	stream.linear.scatter [tilespmem:s30], [sflag:$0x3], $0x4000, $0x38;
	[tilespmem:$0x1C200] =	vst v63  }
0x48: {  	_ =	swait.ge [sflag:s31], $0x4000  }
0x49: {  	[sflag:s31] =	ssyncset.done $0x0  }
0x4a: {  	[sflag:s31] =	ssyncadd.s32 $0xFFFFC000  }
0x4b: {  	[bflag:$0x0] =	sbarrier.arrive $0xFFFF  }
0x4c: {  	s10 =	rddreg [dreg:$0x4]  }
0x4d: {  	[tilespmem:s1], [sflag:$0x3] =	stream.linear.gather [hbm4b:s10+s1], $0x80, $0x38;
	[tilespmem:$0x1C200] =	vst v63  }
0x4e: {  	_ =	swait.ge [sflag:s31], $0x80  }
0x4f: {  	[sflag:s31] =	ssyncset.done $0x0  }
0x50: {  	s11 =	rddreg [dreg:$0x5];
	[sflag:s31] =	ssyncadd.s32 $0xFFFFFF80  }
0x51: {  	[tilespmem:s18], [sflag:$0x3] =	stream.linear.gather [hbm4b:s11+s1], $0x80, $0x38;
	[tilespmem:$0x1C200] =	vst v63  }
0x52: {  	_ =	swait.ge [sflag:s31], $0x80  }
0x53: {  	[sflag:s31] =	ssyncset.done $0x0  }
0x54: {  	[sflag:s31] =	ssyncadd.s32 $0xFFFFFF80  }
0x55: {  	[tilespmem:s30], [sflag:$0x1] =	stream.indirect.gather [hbm4b:s19+s18], $0x80, s1, s18, $0xb8;
	[tilespmem:$0x1C200] =	vst v63  }
0x56: {  	s8 =	sadd.s32 $0x0, s22  }
0x57: {  	[tilespmem:s0], [sflag:$0x3] =	stream.linear.gather [hbm4b:s8+s1], $0x80, $0x38;
	[tilespmem:$0x1C200] =	vst v63  }
0x58: {  	_ =	swait.ge [sflag:s31], $0x80  }
0x59: {  	[sflag:s31] =	ssyncset.done $0x0  }
0x5a: {  	s9 =	sadd.s32 $0x0, s21;
	[sflag:s31] =	ssyncadd.s32 $0xFFFFFF80  }
0x5b: {  	[tilespmem:s2], [sflag:$0x3] =	stream.linear.gather [hbm4b:s9+s1], $0x80, $0x38;
	[tilespmem:$0x1C200] =	vst v63  }
0x5c: {  	_ =	swait.ge [sflag:s31], $0x80  }
0x5d: {  	[sflag:s31] =	ssyncset.done $0x0  }
0x5e: {  	[sflag:s31] =	ssyncadd.s32 $0xFFFFFF80  }
0x5f: {  	[tilespmem:s3], [sflag:$0x2] =	stream.indirect.gather [hbm4b:s19+s18], $0x80, s0, s18, $0xb8;
	[tilespmem:$0x1C200] =	vst v63  }
0x60: {  	_ =	swait.ge [sflag:s4], $0x4000  }
0x61: {  	[sflag:s4] =	ssyncset.done $0x0  }
0x62: {  	[sflag:s4] =	ssyncadd.s32 $0xFFFFC000  }
0x63: {  	[spmem:s20] =	stream.indirect.scatter.add.f32 [tilespmem:s30], [sflag:$0x3], $0x80, s18, s18, $0xb8;
	[tilespmem:$0x1C200] =	vst v63  }
0x64: {  	_ =	swait.ge [sflag:s31], $0x4000  }
0x65: {  	[sflag:s31] =	ssyncset.done $0x0  }
0x66: {  	s10 =	sadd.s32 $0x0, s17;
	[sflag:s31] =	ssyncadd.s32 $0xFFFFC000  }
0x67: {  	[tilespmem:s1], [sflag:$0x3] =	stream.linear.gather [hbm4b:s10+s1], $0x80, $0x38;
	[tilespmem:$0x1C200] =	vst v63  }
0x68: {  	_ =	swait.ge [sflag:s31], $0x80  }
0x69: {  	[sflag:s31] =	ssyncset.done $0x0  }
0x6a: {  	s11 =	sadd.s32 $0x0, s16;
	[sflag:s31] =	ssyncadd.s32 $0xFFFFFF80  }
0x6b: {  	[tilespmem:s18], [sflag:$0x3] =	stream.linear.gather [hbm4b:s11+s1], $0x80, $0x38;
	[tilespmem:$0x1C200] =	vst v63  }
0x6c: {  	_ =	swait.ge [sflag:s31], $0x80  }
0x6d: {  	[sflag:s31] =	ssyncset.done $0x0  }
0x6e: {  	[sflag:s31] =	ssyncadd.s32 $0xFFFFFF80  }
0x6f: {  	[tilespmem:s30], [sflag:$0x1] =	stream.indirect.gather [hbm4b:s19+s18], $0x80, s1, s18, $0xb8;
	[tilespmem:$0x1C200] =	vst v63  }
0x70: {  	_ =	swait.ge [sflag:s5], $0x4000  }
0x71: {  	[sflag:s5] =	ssyncset.done $0x0  }
0x72: {  	[sflag:s5] =	ssyncadd.s32 $0xFFFFC000  }
0x73: {  	[spmem:s20] =	stream.indirect.scatter.add.f32 [tilespmem:s3], [sflag:$0x3], $0x80, s2, s18, $0xb8;
	[tilespmem:$0x1C200] =	vst v63  }
0x74: {  	_ =	swait.ge [sflag:s31], $0x4000  }
0x75: {  	s7 =	simm.s32 $0x20;
	s8 =	simm.s32 $0x40;
	[sflag:s31] =	ssyncset.done $0x0  }
.LBB2_2:
0x76: {  	s10 =	sadd.s32 s7, s22  }
0x77: {  	[sflag:s31] =	ssyncadd.s32 $0xFFFFC000;
	s11 =	smov.u32 s8;
	s9 =	sadd.s32 $0x20, s8  }
0x78: {  	[tilespmem:s0], [sflag:$0x3] =	stream.linear.gather [hbm4b:s10+s1], $0x80, $0x38;
	[tilespmem:$0x1C200] =	vst v63  }
0x79: {  	p0 =	sne.s32 s8, $0x4C0;
	_ =	swait.ge [sflag:s31], $0x80  }
0x7a: {  	[sflag:s31] =	ssyncset.done $0x0  }
0x7b: {  	s8 =	sadd.s32 s7, s21;
	[sflag:s31] =	ssyncadd.s32 $0xFFFFFF80  }
0x7c: {  	[tilespmem:s2], [sflag:$0x3] =	stream.linear.gather [hbm4b:s8+s1], $0x80, $0x38;
	[tilespmem:$0x1C200] =	vst v63  }
0x7d: {  	_ =	swait.ge [sflag:s31], $0x80  }
0x7e: {  	[sflag:s31] =	ssyncset.done $0x0  }
0x7f: {  	[sflag:s31] =	ssyncadd.s32 $0xFFFFFF80  }
0x80: {  	[tilespmem:s3], [sflag:$0x2] =	stream.indirect.gather [hbm4b:s19+s18], $0x80, s0, s18, $0xb8;
	[tilespmem:$0x1C200] =	vst v63  }
0x81: {  	_ =	swait.ge [sflag:s4], $0x4000  }
0x82: {  	[sflag:s4] =	ssyncset.done $0x0  }
0x83: {  	[sflag:s4] =	ssyncadd.s32 $0xFFFFC000  }
0x84: {  	[spmem:s20] =	stream.indirect.scatter.add.f32 [tilespmem:s30], [sflag:$0x3], $0x80, s18, s18, $0xb8;
	[tilespmem:$0x1C200] =	vst v63  }
0x85: {  	_ =	swait.ge [sflag:s31], $0x4000  }
0x86: {  	[sflag:s31] =	ssyncset.done $0x0  }
0x87: {  	s8 =	sadd.s32 s7, s17;
	[sflag:s31] =	ssyncadd.s32 $0xFFFFC000  }
0x88: {  	[tilespmem:s1], [sflag:$0x3] =	stream.linear.gather [hbm4b:s8+s1], $0x80, $0x38;
	[tilespmem:$0x1C200] =	vst v63  }
0x89: {  	_ =	swait.ge [sflag:s31], $0x80  }
0x8a: {  	[sflag:s31] =	ssyncset.done $0x0  }
0x8b: {  	s8 =	sadd.s32 s7, s16;
	s7 =	smov.u32 s11;
	[sflag:s31] =	ssyncadd.s32 $0xFFFFFF80  }
0x8c: {  	[tilespmem:s18], [sflag:$0x3] =	stream.linear.gather [hbm4b:s8+s1], $0x80, $0x38;
	[tilespmem:$0x1C200] =	vst v63  }
0x8d: {  	_ =	swait.ge [sflag:s31], $0x80  }
0x8e: {  	[sflag:s31] =	ssyncset.done $0x0  }
0x8f: {  	[sflag:s31] =	ssyncadd.s32 $0xFFFFFF80  }
0x90: {  	[tilespmem:s30], [sflag:$0x1] =	stream.indirect.gather [hbm4b:s19+s18], $0x80, s1, s18, $0xb8;
	[tilespmem:$0x1C200] =	vst v63  }
0x91: {  	_ =	swait.ge [sflag:s5], $0x4000  }
.Ltmp0:
0x92: {  	[sflag:s5] =	ssyncset.done $0x0;
	(pc) =	sbr.rel @p0 .LBB2_2-.Ltmp0, $4  }
0x93: {  	[sflag:s5] =	ssyncadd.s32 $0xFFFFC000  }
0x94: {  	[spmem:s20] =	stream.indirect.scatter.add.f32 [tilespmem:s3], [sflag:$0x3], $0x80, s2, s18, $0xb8;
	[tilespmem:$0x1C200] =	vst v63  }
0x95: {  	_ =	swait.ge [sflag:s31], $0x4000  }
0x96: {  	s8 =	smov.u32 s9;
	[sflag:s31] =	ssyncset.done $0x0  }
0x97: {  	s8 =	sadd.s32 s7, s22;
	[sflag:s31] =	ssyncadd.s32 $0xFFFFC000  }
0x98: {  	[tilespmem:s0], [sflag:$0x3] =	stream.linear.gather [hbm4b:s8+s1], $0x80, $0x38;
	[tilespmem:$0x1C200] =	vst v63  }
0x99: {  	_ =	swait.ge [sflag:s31], $0x80  }
0x9a: {  	[sflag:s31] =	ssyncset.done $0x0  }
0x9b: {  	s10 =	sadd.s32 s7, s21;
	[sflag:s31] =	ssyncadd.s32 $0xFFFFFF80  }
0x9c: {  	[tilespmem:s2], [sflag:$0x3] =	stream.linear.gather [hbm4b:s10+s1], $0x80, $0x38;
	[tilespmem:$0x1C200] =	vst v63  }
0x9d: {  	_ =	swait.ge [sflag:s31], $0x80  }
0x9e: {  	[sflag:s31] =	ssyncset.done $0x0  }
0x9f: {  	[sflag:s31] =	ssyncadd.s32 $0xFFFFFF80  }
0xa0: {  	[tilespmem:s3], [sflag:$0x2] =	stream.indirect.gather [hbm4b:s19+s18], $0x80, s0, s18, $0xb8;
	[tilespmem:$0x1C200] =	vst v63  }
0xa1: {  	_ =	swait.ge [sflag:s4], $0x4000  }
0xa2: {  	[sflag:s4] =	ssyncset.done $0x0  }
0xa3: {  	[sflag:s4] =	ssyncadd.s32 $0xFFFFC000  }
0xa4: {  	[spmem:s20] =	stream.indirect.scatter.add.f32 [tilespmem:s30], [sflag:$0x3], $0x80, s18, s18, $0xb8;
	[tilespmem:$0x1C200] =	vst v63  }
0xa5: {  	_ =	swait.ge [sflag:s31], $0x4000  }
0xa6: {  	[sflag:s31] =	ssyncset.done $0x0  }
0xa7: {  	s11 =	sadd.s32 s7, s17;
	[sflag:s31] =	ssyncadd.s32 $0xFFFFC000  }
0xa8: {  	[tilespmem:s1], [sflag:$0x3] =	stream.linear.gather [hbm4b:s11+s1], $0x80, $0x38;
	[tilespmem:$0x1C200] =	vst v63  }
0xa9: {  	_ =	swait.ge [sflag:s31], $0x80  }
0xaa: {  	[sflag:s31] =	ssyncset.done $0x0  }
0xab: {  	s8 =	sadd.s32 s7, s16;
	[sflag:s31] =	ssyncadd.s32 $0xFFFFFF80  }
0xac: {  	[tilespmem:s18], [sflag:$0x3] =	stream.linear.gather [hbm4b:s8+s1], $0x80, $0x38;
	[tilespmem:$0x1C200] =	vst v63  }
0xad: {  	_ =	swait.ge [sflag:s31], $0x80  }
0xae: {  	[sflag:s31] =	ssyncset.done $0x0  }
0xaf: {  	[sflag:s31] =	ssyncadd.s32 $0xFFFFFF80  }
0xb0: {  	[tilespmem:s30], [sflag:$0x1] =	stream.indirect.gather [hbm4b:s19+s18], $0x80, s1, s18, $0xb8;
	[tilespmem:$0x1C200] =	vst v63  }
0xb1: {  	_ =	swait.ge [sflag:s5], $0x4000  }
0xb2: {  	[sflag:s5] =	ssyncset.done $0x0  }
0xb3: {  	[sflag:s5] =	ssyncadd.s32 $0xFFFFC000  }
0xb4: {  	[spmem:s20] =	stream.indirect.scatter.add.f32 [tilespmem:s3], [sflag:$0x3], $0x80, s2, s18, $0xb8;
	[tilespmem:$0x1C200] =	vst v63  }
0xb5: {  	_ =	swait.ge [sflag:s31], $0x4000  }
0xb6: {  	[sflag:s31] =	ssyncset.done $0x0  }
0xb7: {  	s9 =	rddreg [dreg:$0x6];
	[sflag:s31] =	ssyncadd.s32 $0xFFFFC000  }
0xb8: {  	[tilespmem:s0], [sflag:$0x3] =	stream.linear.gather [hbm4b:s9+s1], $0x80, $0x38;
	[tilespmem:$0x1C200] =	vst v63  }
0xb9: {  	_ =	swait.ge [sflag:s31], $0x80  }
0xba: {  	[sflag:s31] =	ssyncset.done $0x0  }
0xbb: {  	s10 =	rddreg [dreg:$0x7];
	[sflag:s31] =	ssyncadd.s32 $0xFFFFFF80  }
0xbc: {  	[tilespmem:s2], [sflag:$0x3] =	stream.linear.gather [hbm4b:s10+s1], $0x80, $0x38;
	[tilespmem:$0x1C200] =	vst v63  }
0xbd: {  	_ =	swait.ge [sflag:s31], $0x80  }
0xbe: {  	[sflag:s31] =	ssyncset.done $0x0  }
0xbf: {  	[sflag:s31] =	ssyncadd.s32 $0xFFFFFF80  }
0xc0: {  	[tilespmem:s3], [sflag:$0x2] =	stream.indirect.gather [hbm4b:s19+s18], $0x80, s0, s18, $0xb8;
	[tilespmem:$0x1C200] =	vst v63  }
0xc1: {  	_ =	swait.ge [sflag:s4], $0x4000  }
0xc2: {  	[sflag:s4] =	ssyncset.done $0x0  }
0xc3: {  	[sflag:s4] =	ssyncadd.s32 $0xFFFFC000  }
0xc4: {  	[spmem:s20] =	stream.indirect.scatter.add.f32 [tilespmem:s30], [sflag:$0x3], $0x80, s18, s18, $0xb8;
	[tilespmem:$0x1C200] =	vst v63  }
0xc5: {  	_ =	swait.ge [sflag:s31], $0x4000  }
0xc6: {  	[sflag:s31] =	ssyncset.done $0x0  }
0xc7: {  	[sflag:s31] =	ssyncadd.s32 $0xFFFFC000  }
0xc8: {  	_ =	swait.ge [sflag:s5], $0x4000  }
0xc9: {  	[sflag:s5] =	ssyncset.done $0x0  }
0xca: {  	[sflag:s5] =	ssyncadd.s32 $0xFFFFC000  }
0xcb: {  	[spmem:s20] =	stream.indirect.scatter.add.f32 [tilespmem:s3], [sflag:$0x3], $0x80, s2, s18, $0xb8;
	[tilespmem:$0x1C200] =	vst v63  }
0xcc: {  	_ =	swait.ge [sflag:s31], $0x4000  }
0xcd: {  	[sflag:s31] =	ssyncset.done $0x0  }
0xce: {  	[sflag:s31] =	ssyncadd.s32 $0xFFFFC000  }
0xcf: {  	[bflag:$0x0] =	sbarrier.arrive $0xFFFF  }
0xd0: {  	[tilespmem:s30], [sflag:$0x3] =	stream.linear.gather [spmem:s23], $0x4000, $0x38;
	[tilespmem:$0x1C200] =	vst v63  }
0xd1: {  	_ =	swait.ge [sflag:s31], $0x4000  }
0xd2: {  	[sflag:s31] =	ssyncset.done $0x0  }
0xd3: {  	s11 =	rddreg [dreg:$0xd];
	[sflag:s31] =	ssyncadd.s32 $0xFFFFC000  }
0xd4: {  	[hbm4b:s11+s1] =	stream.linear.scatter [tilespmem:s30], [sflag:$0x3], $0x4000, $0x38;
	[tilespmem:$0x1C200] =	vst v63  }
0xd5: {  	_ =	swait.ge [sflag:s31], $0x4000  }
0xd6: {  	[sflag:s31] =	ssyncset.done $0x0  }
0xd7: {  	[sflag:s31] =	ssyncadd.s32 $0xFFFFC000  }
0xd8: {  	[tilespmem:s30], [sflag:$0x3] =	stream.linear.gather [spmem:s25], $0x4000, $0x38;
	[tilespmem:$0x1C200] =	vst v63  }
0xd9: {  	_ =	swait.ge [sflag:s31], $0x4000  }
0xda: {  	[sflag:s31] =	ssyncset.done $0x0  }
0xdb: {  	[sflag:s31] =	ssyncadd.s32 $0xFFFFC000  }
0xdc: {  	[hbm4b:s12+s1] =	stream.linear.scatter [tilespmem:s30], [sflag:$0x3], $0x4000, $0x38;
	[tilespmem:$0x1C200] =	vst v63  }
0xdd: {  	_ =	swait.ge [sflag:s31], $0x4000  }
0xde: {  	[sflag:s31] =	ssyncset.done $0x0  }
0xdf: {  	[sflag:s31] =	ssyncadd.s32 $0xFFFFC000  }
0xe0: {  	[tilespmem:s30], [sflag:$0x3] =	stream.linear.gather [spmem:s26], $0x4000, $0x38;
	[tilespmem:$0x1C200] =	vst v63  }
0xe1: {  	_ =	swait.ge [sflag:s31], $0x4000  }
0xe2: {  	[sflag:s31] =	ssyncset.done $0x0  }
0xe3: {  	[sflag:s31] =	ssyncadd.s32 $0xFFFFC000  }
0xe4: {  	[hbm4b:s13+s1] =	stream.linear.scatter [tilespmem:s30], [sflag:$0x3], $0x4000, $0x38;
	[tilespmem:$0x1C200] =	vst v63  }
0xe5: {  	_ =	swait.ge [sflag:s31], $0x4000  }
0xe6: {  	[sflag:s31] =	ssyncset.done $0x0  }
0xe7: {  	[sflag:s31] =	ssyncadd.s32 $0xFFFFC000  }
0xe8: {  	[tilespmem:s30], [sflag:$0x3] =	stream.linear.gather [spmem:s28], $0x4000, $0x38;
	[tilespmem:$0x1C200] =	vst v63  }
0xe9: {  	_ =	swait.ge [sflag:s31], $0x4000  }
0xea: {  	[sflag:s31] =	ssyncset.done $0x0  }
0xeb: {  	[sflag:s31] =	ssyncadd.s32 $0xFFFFC000  }
0xec: {  	[hbm4b:s14+s1] =	stream.linear.scatter [tilespmem:s30], [sflag:$0x3], $0x4000, $0x38;
	[tilespmem:$0x1C200] =	vst v63  }
0xed: {  	_ =	swait.ge [sflag:s31], $0x4000  }
0xee: {  	[sflag:s31] =	ssyncset.done $0x0  }
0xef: {  	[sflag:s31] =	ssyncadd.s32 $0xFFFFC000  }
0xf0: {  	[tilespmem:s30], [sflag:$0x3] =	stream.linear.gather [spmem:s29], $0x4000, $0x38;
	[tilespmem:$0x1C200] =	vst v63  }
0xf1: {  	s6 =	sadd.s32 $0x1, s6;
	_ =	swait.ge [sflag:s31], $0x4000  }
0xf2: {  	p0 =	sne.s32 s6, s24;
	[sflag:s31] =	ssyncset.done $0x0  }
.Ltmp1:
0xf3: {  	[sflag:s31] =	ssyncadd.s32 $0xFFFFC000;
	(pc) =	sbr.rel @p0 .LBB2_1-.Ltmp1, $4  }
0xf4: {  	[hbm4b:s15+s1] =	stream.linear.scatter [tilespmem:s30], [sflag:$0x3], $0x4000, $0x38;
	[tilespmem:$0x1C200] =	vst v63  }
0xf5: {  	_ =	swait.ge [sflag:s31], $0x4000  }
0xf6: {  	[sflag:s31] =	ssyncset.done $0x0  }
0xf7: {  	[sflag:s31] =	ssyncadd.s32 $0xFFFFC000  }
0xf8: {  	_ =	sfence.sel $0x180000  }
0xf9: {  	[bflag:$0x0] =	sbarrier.arrive $0xFFFF  }
0xfa: {  	_ =	strace $0x9000004A  }
0xfb: {  	s0 =	stileid.u32;
	[bflag:$0x2] =	sbarrier.arrive $0xFFFF  }
0xfc: {  	p0 =	sne.s32 s0, $0x0;
	s0 =	rddreg [dreg:$0x3]  }
0xfd: {  	s0 =	sadd.s32 @!p0 $0x100000, s0  }
0xfe: {  	[sflag:s0] =	ssyncadd.tile.s32 @!p0 $0x1;
	_ =	shalt  }
.Lfunc_end2:
_tile_overlayer_lowered:
.L_overlay_start_2:
0xff: {  	(tag) =	ssettag $0x2  }
0x100: {  	s0 =	rddreg [dreg:$0x0];
	s2 =	stileid.u32  }
0x101: {  	s1 =	rddreg [dreg:$0x1];
	p0 =	sne.s32 s2, $0x0  }
0x102: {  	s3 =	rddreg [dreg:$0x2];
	[bflag:$0x3] =	sbarrier.arrive $0xFFFF;
	s2 =	simm.s32 @!p0 $0x1C03  }
0x103: {  	[timem:s3], [sflag:s2] =	dma.local @!p0 [hbm:s0], s1  }
0x104: {  	s0 =	simm.s32 @!p0 $0x3  }
0x105: {  	_ =	swait.ge @!p0 [sflag:s0], s1  }
0x106: {  	s1 =	ssub.s32 @!p0 $0x0, s1;
	[sflag:s0] =	ssyncset.done @!p0 $0x0  }
0x107: {  	[sflag:s0] =	ssyncadd.s32 @!p0 s1  }
0x108: {  	[bflag:$0x3] =	sbarrier.arrive $0xFFFF  }
0x109: {  	_ =	shalt  }

// kernel: kernel.7.cloned.1.call-start
scs
__scs_entry_jumppad:
0x0: {  	(pc) =	sbr.rel $0x88, $3  }
0x1: {  	(tag) =	ssettag $0x0;
	lr =	simm.s32 $0x1  }
0x2: {  	[smem:$0x3F99] =	sst lr;
	_ =	strace $0xD0000000  }
0x3: {  	_ = 	snop  }
0x4: {  	_ = 	snop  }
0x5: {  	_ = 	snop  }
0x6: {  	_ = 	snop  }
0x7: {  	_ = 	snop  }
__scs_overlays_trampoline_lowered:
0x8: {  	[smem:$0x3FA8] =	sst s0  }
0x9: {  	[smem:$0x3FA9] =	sst s1  }
0xa: {  	[smem:$0x3FAA] =	sst s2  }
0xb: {  	[smem:$0x3FAB] =	sst s3  }
0xc: {  	[smem:$0x3FAC] =	sst s4  }
0xd: {  	[smem:$0x3FAD] =	sst s5  }
0xe: {  	[smem:$0x3FAE] =	sst s6  }
0xf: {  	[smem:$0x3FAF] =	sst s7  }
0x10: {  	[smem:$0x3FB0] =	sst s8  }
0x11: {  	[smem:$0x3FB1] =	sst s9;
	s0 =	simm.s32 @!p0 $0x0  }
0x12: {  	s1 =	sld [smem:$0x3F97];
	s0 =	simm.s32 @p0 $0x1  }
0x13: {  	[smem:$0x3FB2] =	sst s0;
	s0 =	simm.s32 @!p1 $0x0  }
0x14: {  	s2 =	sld [smem:$0x3F96];
	s0 =	simm.s32 @p1 $0x1  }
0x15: {  	[smem:$0x3FB3] =	sst s0;
	s0 =	simm.s32 @!p2 $0x0  }
0x16: {  	s3 =	sld [smem:$0x3FDB];
	s0 =	simm.s32 @p2 $0x1  }
0x17: {  	s4 =	simm.s32 $0x1BF5;
	[smem:$0x3FB5] =	sst s0  }
0x18: {  	s0 =	sld [smem:$0x3F98];
	_ =	swait.ge [sflag:s4], $0x0  }
0x19: {  	s7 =	sld [smem:$0x3F99]  }
0x1a: {  	s8 =	sadd.s32 $0xFFFFE003, lr  }
0x1b: {  	s9 =	sadd.s32 $0xFFFFFEF7, lr;
	s5 =	simm.s32 $0xFFFFFFFF;
	p2 =	slt.u32 s8, $0xFFFFF086  }
0x1c: {  	p1 =	slt.u32 s9, $0xF7A;
	s5 =	simm.s32 @!p2 $0x0  }
0x1d: {  	s5 =	simm.s32 @p1 $0x1;
	p0 =	seq.s32 s7, s2  }
0x1e: {  	s7 =	smul.u32 @!p0 $0xF7A, s2;
	p2 =	seq.s32 @!p0 s5, $0x0  }
0x1f: {  	s9 =	smul.u32 $0xF7A, s1;
	s8 =	simm.s32 @!p0 $0x1BF5;
	p2 =	por !p2, p0  }
0x20: {  	[sflag:s8] =	ssyncset.s32 @!p0 $0xFFFFF086;
	s6 =	sadd.s32 @!p0 s3, s7;
	s7 =	simm.s32 @!p0 $0x108  }
0x21: {  	s3 =	sadd.s32 s3, s9;
	s6 =	sadd.s32 @!p0 $0x88, s6;
	s7 =	simm.s32 @p2 $0x1082  }
0x22: {  	[simem:s7], [sflag:s8] =	dma.local @!p0 [hbm:s6], $0xF7A  }
0x23: {  	s9 =	sor.u32 $0xD0000000, s2;
	s6 =	simm.s32 $0x108;
	_ =	swait.ge @!p0 [sflag:s8], $0x0  }
0x24: {  	s3 =	sadd.s32 $0x88, s3;
	s6 =	simm.s32 @!p1 $0x1082;
	[sflag:s4] =	ssyncset.s32 $0xFFFFF086  }
0x25: {  	[simem:s6], [sflag:s4] =	dma.local [hbm:s3], $0xF7A  }
0x26: {  	[smem:$0x3F99] =	sst s1;
	(tag) =	ssettag s2;
	_ =	strace s9  }
0x27: {  	s1 =	sld [smem:$0x3FA9]  }
0x28: {  	s2 =	sld [smem:$0x3FAA]  }
0x29: {  	s4 =	sld [smem:$0x3FAC]  }
0x2a: {  	p0 =	seq.s32 s5, $0x0;
	s5 =	sld [smem:$0x3FAD]  }
0x2b: {  	s6 =	sld [smem:$0x3FAE]  }
0x2c: {  	s7 =	sld [smem:$0x3FAF]  }
0x2d: {  	s3 =	simm.s32 $0x108;
	s8 =	sld [smem:$0x3FB0]  }
0x2e: {  	s3 =	simm.s32 @!p0 $0x1082;
	s9 =	sld [smem:$0x3FB1]  }
0x2f: {  	lr =	sadd.s32 s0, s3;
	s0 =	sld [smem:$0x3FA8]  }
0x30: {  	s3 =	sld [smem:$0x3FAB]  }
0x31: {  	[smem:$0x3FB4] =	sst s10  }
0x32: {  	s10 =	sld [smem:$0x3FB2];
	_ =	sdelay $0x3  }
0x33: {  	p0 =	seq.s32 s10, $0x1;
	s10 =	sld [smem:$0x3FB4];
	_ =	sdelay $0x3  }
0x34: {  	[smem:$0x3FB4] =	sst s10  }
0x35: {  	s10 =	sld [smem:$0x3FB3];
	_ =	sdelay $0x3  }
0x36: {  	p1 =	seq.s32 s10, $0x1;
	s10 =	sld [smem:$0x3FB4];
	_ =	sdelay $0x3  }
0x37: {  	[smem:$0x3FB4] =	sst s10  }
0x38: {  	s10 =	sld [smem:$0x3FB5]  }
0x39: {  	_ = 	snop;
	(pc) =	sbr.ind lr, $3  }
0x3a: {  	_ = 	snop  }
0x3b: {  	_ = 	snop  }
0x3c: {  	p2 =	seq.s32 s10, $0x1;
	s10 =	sld [smem:$0x3FB4]  }
0x3d: {  	_ =	shalt  }
0x3e: {  	_ =	shalt  }
0x3f: {  	_ =	shalt  }
0x40: {  	_ =	shalt  }
0x41: {  	_ =	shalt  }
0x42: {  	_ =	shalt  }
0x43: {  	_ =	shalt  }
0x44: {  	_ =	shalt  }
0x45: {  	_ =	shalt  }
0x46: {  	_ =	shalt  }
0x47: {  	_ =	shalt  }
0x48: {  	_ =	shalt  }
0x49: {  	_ =	shalt  }
0x4a: {  	_ =	shalt  }
0x4b: {  	_ =	shalt  }
0x4c: {  	_ =	shalt  }
0x4d: {  	_ =	shalt  }
0x4e: {  	_ =	shalt  }
0x4f: {  	_ =	shalt  }
0x50: {  	_ =	shalt  }
0x51: {  	_ =	shalt  }
0x52: {  	_ =	shalt  }
0x53: {  	_ =	shalt  }
0x54: {  	_ =	shalt  }
0x55: {  	_ =	shalt  }
0x56: {  	_ =	shalt  }
0x57: {  	_ =	shalt  }
0x58: {  	_ =	shalt  }
0x59: {  	_ =	shalt  }
0x5a: {  	_ =	shalt  }
0x5b: {  	_ =	shalt  }
0x5c: {  	_ =	shalt  }
0x5d: {  	_ =	shalt  }
0x5e: {  	_ =	shalt  }
0x5f: {  	_ =	shalt  }
0x60: {  	_ =	shalt  }
0x61: {  	_ =	shalt  }
0x62: {  	_ =	shalt  }
0x63: {  	_ =	shalt  }
0x64: {  	_ =	shalt  }
0x65: {  	_ =	shalt  }
0x66: {  	_ =	shalt  }
0x67: {  	_ =	shalt  }
0x68: {  	_ =	shalt  }
0x69: {  	_ =	shalt  }
0x6a: {  	_ =	shalt  }
0x6b: {  	_ =	shalt  }
0x6c: {  	_ =	shalt  }
0x6d: {  	_ =	shalt  }
0x6e: {  	_ =	shalt  }
0x6f: {  	_ =	shalt  }
0x70: {  	_ =	shalt  }
0x71: {  	_ =	shalt  }
0x72: {  	_ =	shalt  }
0x73: {  	_ =	shalt  }
0x74: {  	_ =	shalt  }
0x75: {  	_ =	shalt  }
0x76: {  	_ =	shalt  }
0x77: {  	_ =	shalt  }
0x78: {  	_ =	shalt  }
0x79: {  	_ =	shalt  }
0x7a: {  	_ =	shalt  }
0x7b: {  	_ =	shalt  }
0x7c: {  	_ =	shalt  }
0x7d: {  	_ =	shalt  }
0x7e: {  	_ =	shalt  }
0x7f: {  	_ =	shalt  }
0x80: {  	_ =	shalt  }
0x81: {  	_ =	shalt  }
0x82: {  	_ =	shalt  }
0x83: {  	_ =	shalt  }
0x84: {  	_ =	shalt  }
0x85: {  	_ =	shalt  }
0x86: {  	_ =	shalt  }
0x87: {  	_ =	shalt  }
.Lfunc_end0:
.L_simem_size_0:
called_computation_lowered:
.L_overlay_start_0:
0x88: {  	s2 =	sld [smem:$0x3FD9]  }
0x89: {  	s3 =	sld [smem:$0x3FFE];
	_ =	sdelay $0x1  }
0x8a: {  	s1 =	srdreg.scid  }
0x8b: {  	s0 =	sand.u32 $0x1, s1  }
0x8c: {  	s17 =	sshll.u32 s0, $0xA;
	s2 =	sadd.s32 s3, s2  }
0x8d: {  	s2 =	sadd.s32 s2, s17  }
0x8e: {  	[smem:$0x3FC0] =	sst s2  }
0x8f: {  	_ = 	snop  }
0x90: {  	s2 =	sld [smem:$0x3FD0];
	(tm) =	ssettm $0x1  }
0x91: {  	s18 =	sld [smem:$0x3FFB];
	_ =	sdelay $0x3  }
0x92: {  	_ =	strace s18  }
0x93: {  	s3 =	sld [smem:$0x3FFC];
	_ =	sdelay $0x3  }
0x94: {  	_ =	strace s3  }
0x95: {  	s3 =	sld [smem:$0x3FFD];
	_ =	sdelay $0x3  }
0x96: {  	_ =	strace s3  }
0x97: {  	_ =	strace $0x8FFFFFFF  }
0x98: {  	s19 =	sld [smem:$0x3FDB];
	_ =	sdelay $0x1  }
0x99: {  	s4 =	simm.s32 $_scs_section_size  }
0x9a: {  	s5 =	simm.s32 $_size__tile_overlayer_lowered;
	s6 =	simm.s32 $_tile_overlayer_lowered  }
0x9b: {  	s22 =	simm.s32 $0x1BFF;
	s21 =	sshll.u32 s6, $0x1;
	s3 =	sadd.s32 s4, s19  }
0x9c: {  	s7 =	simm.s32 $0x0;
	s20 =	sshll.u32 s5, $0x1;
	s5 =	sadd.s32 s21, s3  }
0x9d: {  	[timem:s7], [sflag:s22] =	dma.local [hbm:s5], s20  }
0x9e: {  	_ =	swait.ge [sflag:s22], s20  }
0x9f: {  	s4 =	ssub.s32 $0x0, s20;
	[sflag:s22] =	ssyncset.done $0x0  }
0xa0: {  	[sflag:s22] =	ssyncadd.s32 s4;
	_ =	sdelay $0x1  }
0xa1: {  	s23 =	simm.s32 $0x1B8B  }
0xa2: {  	_ =	swait.ge [sflag:s23], $0x1  }
0xa3: {  	[sflag:s23] =	ssyncset.done $0x0  }
0xa4: {  	s25 =	simm.s32 $0x1B8E;
	s24 =	sld [smem:$0x3FFE];
	[sflag:s23] =	ssyncadd.s32 $0xFFFFFFFF  }
0xa5: {  	s26 =	simm.s32 $execute0_lowered;
	[smem:$0x3FD2] =	sst s25  }
0xa6: {  	s5 =	sshll.u32 s26, $0x1;
	_ =	strace $0x80000046;
	[dreg:$0x1] =	wrdreg $0xFFFFFFFF  }
0xa7: {  	s28 =	simm.s32 $_size_execute0_lowered;
	s3 =	sadd.s32 s3, s5;
	[dreg:$0x0] =	wrdreg $0x0  }
0xa8: {  	s5 =	sshll.u32 s28, $0x1;
	[dreg:$0x2] =	wrdreg s3  }
0xa9: {  	[dreg:$0x3] =	wrdreg s5  }
0xaa: {  	[dreg:$0x4] =	wrdreg $0xC0  }
0xab: {  	_ =	task [dreg:s7], $0x5FFFF  }
0xac: {  	[dreg:$0x1] =	wrdreg $0xFFFFFFFF  }
0xad: {  	[dreg:$0x0] =	wrdreg $0x60  }
0xae: {  	[dreg:$0x2] =	wrdreg s2  }
0xaf: {  	[dreg:$0x3] =	wrdreg s24  }
0xb0: {  	[dreg:$0x4] =	wrdreg $0xAA000  }
0xb1: {  	[dreg:$0x5] =	wrdreg $0x9  }
0xb2: {  	_ =	task.clear_ibuf [dreg:s7], $0x6FFFF;
	_ =	strace $0x90000046  }
0xb3: {  	s29 =	simm.s32 $0x9;
	_ =	strace $0x80000048  }
0xb4: {  	_ =	swait.ge [sflag:s29], $0x1  }
0xb5: {  	[sflag:s29] =	ssyncadd.s32 $0xFFFFFFFF  }
0xb6: {  	_ =	strace $0x90000048  }
0xb7: {  	_ =	sfence  }
0xb8: {  	s30 =	sld [smem:$0x0];
	_ =	sdelay $0x2  }
0xb9: {  	s31 =	sshll.u32 s1, $0xD;
	s1 =	sshrl.u32 s1, $0x2  }
0xba: {  	s3 =	sand.u32 $0x4000, s31;
	s1 =	sadd.s32 s1, s30  }
0xbb: {  	s0 =	sor.u32 s3, s0;
	s1 =	sshll.u32 s1, $0x11  }
0xbc: {  	s0 =	sor.u32 s1, s0  }
0xbd: {  	s0 =	sadd.s32 $0x8F2B, s0  }
0xbe: {  	[sflag:s0] =	ssyncadd.remote.s32 $0x1  }
0xbf: {  	_ =	sfence.sel $0xFFFF  }
0xc0: {  	[dreg:$0x0] =	wrdreg $0xFFFFFFFF;
	(pc) =	sbr.abs _section_cstart, $3  }
0xc1: {  	[dreg:$0x1] =	wrdreg $0xFFFFFFFF  }
0xc2: {  	_ =	task.clear_ibuf [dreg:s7], $0x2FFFF;
	_ =	strace $0x9FFFFFFF  }
0xc3: {  	(tm) =	ssettm $0x7FFFFFFF  }
tec
execute0_lowered:
.L_overlay_start_1:
0x0: {  	(tag) =	ssettag $0x1  }
0x1: {  	s0 =	srdreg.scid  }
0x2: {  	s21 =	stileid.u32;
	s2 =	rddreg [dreg:$0x1]  }
0x3: {  	s1 =	simm.s32 $0x0;
	s31 =	simm.s32 $0x200;
	s11 =	smul.u32 $0x280, s21  }
0x4: {  	s0 =	sand.u32 $0x1, s0;
	s3 =	sshll.u32 s21, $0x1;
	s26 =	smul.u32 $0x2800, s21  }
0x5: {  	s4 =	sshrl.u32 s21, $0x2;
	[smem:$0x7FF] =	sst s1;
	s20 =	smul.u32 $0x5000, s21  }
0x6: {  	s6 =	sadd.s32 $0xC000, s2;
	s7 =	sadd.s32 $0x2000, s2;
	s4 =	smul.u32 $0x14000, s4  }
0x7: {  	s3 =	sor.u32 s0, s3;
	s9 =	ssub.s32 $0x2, s0;
	s0 =	smul.u32 $0x2800, s0  }
0x8: {  	s8 =	sadd.s32 $0x16000, s2;
	s5 =	sshll.u32 s3, $0x7;
	s3 =	smul.u32 $0x2800, s3  }
0x9: {  	s10 =	sshrl.u32 s9, $0x1;
	s18 =	sadd.s32 $0x180, s11;
	s30 =	sadd.s32 $0x200, s11  }
0xa: {  	s5 =	sand.u32 $0x380, s5;
	s15 =	sshll.u32 s18, $0x4;
	s16 =	sadd.s32 s0, s11  }
0xb: {  	s23 =	sadd.s32 s0, s18;
	s4 =	sor.u32 s4, s5;
	s3 =	sshrl.u32 s3, $0x3  }
0xc: {  	s5 =	sadd.s32 $0x3E000, s2;
	s4 =	sshrl.u32 s4, $0x3;
	s24 =	sadd.s32 s6, s3  }
0xd: {  	s25 =	sadd.s32 s7, s3;
	s3 =	sadd.s32 $0x4F0, s3;
	[dreg:$0x4] =	wrdreg s24  }
0xe: {  	s2 =	sadd.s32 s4, s2;
	s4 =	ssub.s32 s9, s10;
	[dreg:$0x5] =	wrdreg s25  }
0xf: {  	s10 =	sadd.s32 $0x80, s11;
	s9 =	sadd.s32 s8, s26;
	s24 =	sadd.s32 s0, s30  }
0x10: {  	s12 =	sshll.u32 s10, $0x4;
	[dreg:$0x6] =	wrdreg s9;
	s9 =	sadd.s32 $0x100, s11  }
0x11: {  	s17 =	sadd.s32 s0, s10;
	s25 =	sshll.u32 s24, $0x4;
	s13 =	sadd.s32 s8, s12  }
0x12: {  	s14 =	sshll.u32 s9, $0x4;
	s19 =	sadd.s32 s0, s9;
	s11 =	sshll.u32 s17, $0x4  }
0x13: {  	s0 =	sadd.s32 s0, s20;
	s20 =	rddreg [dreg:$0x2];
	s9 =	sshll.u32 s9, $0x7  }
0x14: {  	[dreg:$0x7] =	wrdreg s13;
	s12 =	sadd.s32 s8, s14;
	s13 =	sshll.u32 s30, $0x4  }
0x15: {  	s22 =	sadd.s32 s5, s11;
	s14 =	sor.u32 $0x100, s0;
	s0 =	sor.u32 $0x80, s0  }
0x16: {  	s28 =	sadd.s32 s9, s20;
	[dreg:$0x8] =	wrdreg s12;
	s12 =	sadd.s32 s8, s15  }
0x17: {  	s8 =	sadd.s32 s8, s13;
	[dreg:$0xc] =	wrdreg s22;
	s13 =	sadd.s32 s5, s25  }
0x18: {  	s26 =	sshrl.u32 s14, $0x3;
	s14 =	sadd.s32 s6, s3;
	s15 =	sadd.s32 s7, s3  }
0x19: {  	s0 =	sshrl.u32 s0, $0x3;
	s25 =	smax.u32 s4, $0x1;
	[dreg:$0x9] =	wrdreg s12  }
0x1a: {  	s3 =	simm.s32 $0x180;
	s4 =	simm.s32 $0x4200;
	[dreg:$0xa] =	wrdreg s8  }
0x1b: {  	s8 =	sshll.u32 s16, $0x4;
	s12 =	sshll.u32 s19, $0x4;
	s16 =	sadd.s32 s26, s7  }
0x1c: {  	s17 =	sadd.s32 s26, s6;
	s19 =	rddreg [dreg:$0x0];
	s22 =	sadd.s32 s0, s6  }
0x1d: {  	s6 =	simm.s32 $0x8200;
	s8 =	sadd.s32 s5, s8;
	s11 =	sadd.s32 s5, s12  }
0x1e: {  	[dreg:$0xb] =	wrdreg s8;
	s8 =	sshll.u32 s23, $0x4;
	s23 =	sadd.s32 $0x8E000, s2  }
0x1f: {  	s2 =	simm.s32 $0x100;
	s12 =	sadd.s32 s5, s8;
	s5 =	smul.u32 $0x50000, s21  }
0x20: {  	s21 =	sadd.s32 s0, s7;
	_ =	strace $0x80000047;
	s8 =	sshll.u32 s10, $0x7  }
0x21: {  	s10 =	sshll.u32 s18, $0x7;
	s18 =	sshll.u32 s30, $0x7;
	s0 =	simm.s32 $0x80  }
0x22: {  	s26 =	sadd.s32 s8, s20;
	s29 =	sadd.s32 s10, s20;
	s30 =	sadd.s32 s18, s20  }
0x23: {  	s18 =	simm.s32 $0x3;
	s8 =	simm.s32 $0x0;
	s7 =	sshrl.u32 s5, $0x2  }
0x24: {  	v0 =	vimm.f32 $0.0e+00;
	v1 =	vimm.f32 $1.000000000e+00;
	s5 =	simm.s32 $0x1;
	s24 =	sadd.s32 s7, s20;
	s7 =	simm.s32 $0x2  }
.LBB2_1:
0x25: {  	s9 =	rddreg [dreg:$0x6]  }
0x26: {  	[tilespmem:s31], [sflag:$0x3] =	stream.linear.gather [hbm4b:s9+s1], $0x4000, $0x38;
	[tilespmem:$0x1EA00] =	vst v63  }
0x27: {  	_ =	swait.ge [sflag:s18], $0x4000  }
0x28: {  	[sflag:s18] =	ssyncset.done $0x0  }
0x29: {  	[sflag:s18] =	ssyncadd.s32 $0xFFFFC000  }
0x2a: {  	[spmem:s24] =	stream.linear.scatter [tilespmem:s31], [sflag:$0x3], $0x4000, $0x38;
	[tilespmem:$0x1EA00] =	vst v63  }
0x2b: {  	_ =	swait.ge [sflag:s18], $0x4000  }
0x2c: {  	[sflag:s18] =	ssyncset.done $0x0  }
0x2d: {  	s10 =	rddreg [dreg:$0x7];
	[sflag:s18] =	ssyncadd.s32 $0xFFFFC000  }
0x2e: {  	[tilespmem:s31], [sflag:$0x3] =	stream.linear.gather [hbm4b:s10+s1], $0x4000, $0x38;
	[tilespmem:$0x1EA00] =	vst v63  }
0x2f: {  	_ =	swait.ge [sflag:s18], $0x4000  }
0x30: {  	[sflag:s18] =	ssyncset.done $0x0  }
0x31: {  	[sflag:s18] =	ssyncadd.s32 $0xFFFFC000  }
0x32: {  	[spmem:s26] =	stream.linear.scatter [tilespmem:s31], [sflag:$0x3], $0x4000, $0x38;
	[tilespmem:$0x1EA00] =	vst v63  }
0x33: {  	_ =	swait.ge [sflag:s18], $0x4000  }
0x34: {  	[sflag:s18] =	ssyncset.done $0x0  }
0x35: {  	s10 =	rddreg [dreg:$0x8];
	[sflag:s18] =	ssyncadd.s32 $0xFFFFC000  }
0x36: {  	[tilespmem:s31], [sflag:$0x3] =	stream.linear.gather [hbm4b:s10+s1], $0x4000, $0x38;
	[tilespmem:$0x1EA00] =	vst v63  }
0x37: {  	_ =	swait.ge [sflag:s18], $0x4000  }
0x38: {  	[sflag:s18] =	ssyncset.done $0x0  }
0x39: {  	[sflag:s18] =	ssyncadd.s32 $0xFFFFC000  }
0x3a: {  	[spmem:s28] =	stream.linear.scatter [tilespmem:s31], [sflag:$0x3], $0x4000, $0x38;
	[tilespmem:$0x1EA00] =	vst v63  }
0x3b: {  	_ =	swait.ge [sflag:s18], $0x4000  }
0x3c: {  	[sflag:s18] =	ssyncset.done $0x0  }
0x3d: {  	s10 =	rddreg [dreg:$0x9];
	[sflag:s18] =	ssyncadd.s32 $0xFFFFC000  }
0x3e: {  	[tilespmem:s31], [sflag:$0x3] =	stream.linear.gather [hbm4b:s10+s1], $0x4000, $0x38;
	[tilespmem:$0x1EA00] =	vst v63  }
0x3f: {  	_ =	swait.ge [sflag:s18], $0x4000  }
0x40: {  	[sflag:s18] =	ssyncset.done $0x0  }
0x41: {  	[sflag:s18] =	ssyncadd.s32 $0xFFFFC000  }
0x42: {  	[spmem:s29] =	stream.linear.scatter [tilespmem:s31], [sflag:$0x3], $0x4000, $0x38;
	[tilespmem:$0x1EA00] =	vst v63  }
0x43: {  	_ =	swait.ge [sflag:s18], $0x4000  }
0x44: {  	[sflag:s18] =	ssyncset.done $0x0  }
0x45: {  	s10 =	rddreg [dreg:$0xa];
	[sflag:s18] =	ssyncadd.s32 $0xFFFFC000  }
0x46: {  	[tilespmem:s31], [sflag:$0x3] =	stream.linear.gather [hbm4b:s10+s1], $0x4000, $0x38;
	[tilespmem:$0x1EA00] =	vst v63  }
0x47: {  	_ =	swait.ge [sflag:s18], $0x4000  }
0x48: {  	[sflag:s18] =	ssyncset.done $0x0  }
0x49: {  	[sflag:s18] =	ssyncadd.s32 $0xFFFFC000  }
0x4a: {  	[spmem:s30] =	stream.linear.scatter [tilespmem:s31], [sflag:$0x3], $0x4000, $0x38;
	[tilespmem:$0x1EA00] =	vst v63  }
0x4b: {  	_ =	swait.ge [sflag:s18], $0x4000  }
0x4c: {  	[sflag:s18] =	ssyncset.done $0x0  }
0x4d: {  	s9 =	simm.s32 $0x40;
	s10 =	simm.s32 $0x0;
	[sflag:s18] =	ssyncadd.s32 $0xFFFFC000  }
.LBB2_2:
0x4e: {  	p0 =	sne.s32 s9, $0x9FC0;
	[tilespmem:s10+$0x8200] =	vst v0;
	s10 =	smov.u32 s9;
	s9 =	sadd.s32 $0x40, s9  }
.Ltmp0:
0x4f: {  	(pc) =	sbr.rel @p0 .LBB2_2-.Ltmp0, $2  }
0x50: {  	_ =	sdelay $0x2  }
0x51: {  	s10 =	sshra.s32 s10, $0x2  }
0x52: {  	[tilespmem:s10+$0x8200] =	vst v0  }
0x53: {  	[bflag:$0x0] =	sbarrier.arrive $0xFFFF  }
0x54: {  	s9 =	simm.s32 $0x0;
	s10 =	rddreg [dreg:$0x4]  }
0x55: {  	[tilespmem:s9], [sflag:$0x3] =	stream.linear.gather [hbm4b:s10+s9], $0x80, $0x38;
	[tilespmem:$0x1EA00] =	vst v63  }
0x56: {  	_ =	swait.ge [sflag:s18], $0x80  }
0x57: {  	[sflag:s18] =	ssyncset.done $0x0  }
0x58: {  	s10 =	rddreg [dreg:$0x5];
	[sflag:s18] =	ssyncadd.s32 $0xFFFFFF80  }
0x59: {  	[tilespmem:s0], [sflag:$0x3] =	stream.linear.gather [hbm4b:s10+s9], $0x80, $0x38;
	[tilespmem:$0x1EA00] =	vst v63  }
0x5a: {  	_ =	swait.ge [sflag:s18], $0x80  }
0x5b: {  	[sflag:s18] =	ssyncset.done $0x0  }
0x5c: {  	[sflag:s18] =	ssyncadd.s32 $0xFFFFFF80  }
0x5d: {  	[tilespmem:s31], [sflag:$0x1] =	stream.indirect.gather [hbm4b:s19+s0], $0x80, s9, s0, $0xb8;
	[tilespmem:$0x1EA00] =	vst v63  }
.LBB2_4:
0x5e: {  	s10 =	sadd.s32 s9, s22  }
0x5f: {  	[tilespmem:s2], [sflag:$0x3] =	stream.linear.gather [hbm4b:s10+s1], $0x80, $0x38;
	[tilespmem:$0x1EA00] =	vst v63  }
0x60: {  	_ =	swait.ge [sflag:s18], $0x80  }
0x61: {  	[sflag:s18] =	ssyncset.done $0x0  }
0x62: {  	s10 =	sadd.s32 s9, s21;
	[sflag:s18] =	ssyncadd.s32 $0xFFFFFF80  }
0x63: {  	[tilespmem:s3], [sflag:$0x3] =	stream.linear.gather [hbm4b:s10+s1], $0x80, $0x38;
	[tilespmem:$0x1EA00] =	vst v63  }
0x64: {  	_ =	swait.ge [sflag:s18], $0x80  }
0x65: {  	[sflag:s18] =	ssyncset.done $0x0  }
0x66: {  	[sflag:s18] =	ssyncadd.s32 $0xFFFFFF80  }
0x67: {  	[tilespmem:s4], [sflag:$0x2] =	stream.indirect.gather [hbm4b:s19+s0], $0x80, s2, s0, $0xb8;
	[tilespmem:$0x1EA00] =	vst v63  }
0x68: {  	_ =	swait.ge [sflag:s5], $0x4000  }
0x69: {  	[sflag:s5] =	ssyncset.done $0x0  }
0x6a: {  	[sflag:s5] =	ssyncadd.s32 $0xFFFFC000  }
0x6b: {  	[spmem:s20] =	stream.indirect.scatter.add.f32 [tilespmem:s31], [sflag:$0x3], $0x80, s0, s0, $0xb8;
	[tilespmem:$0x1EA00] =	vst v63  }
0x6c: {  	_ =	swait.ge [sflag:s18], $0x4000  }
0x6d: {  	[sflag:s18] =	ssyncset.done $0x0  }
0x6e: {  	[sflag:s18] =	ssyncadd.s32 $0xFFFFC000  }
0x6f: {  	v2 =	vld [tilespmem:$0x80];
	_ =	sdelay $0x7  }
0x70: {  	[tilespmem:v2+s6+$0x0] =	vst.idx.add.f32.msk $0xffff, v1  }
0x71: {  	v2 =	vld [tilespmem:$0x90];
	_ =	sdelay $0x7  }
0x72: {  	[tilespmem:v2+s6+$0x0] =	vst.idx.add.f32.msk $0xffff, v1  }
0x73: {  	v2 =	vld [tilespmem:$0xA0];
	_ =	sdelay $0x7  }
0x74: {  	[tilespmem:v2+s6+$0x0] =	vst.idx.add.f32.msk $0xffff, v1  }
0x75: {  	v2 =	vld [tilespmem:$0xB0];
	_ =	sdelay $0x7  }
0x76: {  	[tilespmem:v2+s6+$0x0] =	vst.idx.add.f32.msk $0xffff, v1  }
0x77: {  	v2 =	vld [tilespmem:$0xC0];
	_ =	sdelay $0x7  }
0x78: {  	[tilespmem:v2+s6+$0x0] =	vst.idx.add.f32.msk $0xffff, v1  }
0x79: {  	v2 =	vld [tilespmem:$0xD0];
	_ =	sdelay $0x7  }
0x7a: {  	[tilespmem:v2+s6+$0x0] =	vst.idx.add.f32.msk $0xffff, v1  }
0x7b: {  	v2 =	vld [tilespmem:$0xE0];
	_ =	sdelay $0x7  }
0x7c: {  	[tilespmem:v2+s6+$0x0] =	vst.idx.add.f32.msk $0xffff, v1  }
0x7d: {  	v2 =	vld [tilespmem:$0xF0];
	_ =	sdelay $0x7  }
0x7e: {  	s10 =	sadd.s32 s9, s17;
	[tilespmem:v2+s6+$0x0] =	vst.idx.add.f32.msk $0xffff, v1  }
0x7f: {  	[tilespmem:s1], [sflag:$0x3] =	stream.linear.gather [hbm4b:s10+s1], $0x80, $0x38;
	[tilespmem:$0x1EA00] =	vst v63  }
0x80: {  	_ =	swait.ge [sflag:s18], $0x80  }
0x81: {  	[sflag:s18] =	ssyncset.done $0x0  }
0x82: {  	s10 =	sadd.s32 s9, s16;
	[sflag:s18] =	ssyncadd.s32 $0xFFFFFF80  }
0x83: {  	[tilespmem:s0], [sflag:$0x3] =	stream.linear.gather [hbm4b:s10+s1], $0x80, $0x38;
	[tilespmem:$0x1EA00] =	vst v63  }
0x84: {  	_ =	swait.ge [sflag:s18], $0x80  }
0x85: {  	[sflag:s18] =	ssyncset.done $0x0  }
0x86: {  	[sflag:s18] =	ssyncadd.s32 $0xFFFFFF80  }
0x87: {  	[tilespmem:s31], [sflag:$0x1] =	stream.indirect.gather [hbm4b:s19+s0], $0x80, s1, s0, $0xb8;
	[tilespmem:$0x1EA00] =	vst v63  }
0x88: {  	_ =	swait.ge [sflag:s7], $0x4000  }
0x89: {  	[sflag:s7] =	ssyncset.done $0x0  }
0x8a: {  	[sflag:s7] =	ssyncadd.s32 $0xFFFFC000  }
0x8b: {  	[spmem:s20] =	stream.indirect.scatter.add.f32 [tilespmem:s4], [sflag:$0x3], $0x80, s3, s0, $0xb8;
	[tilespmem:$0x1EA00] =	vst v63  }
0x8c: {  	_ =	swait.ge [sflag:s18], $0x4000  }
0x8d: {  	[sflag:s18] =	ssyncset.done $0x0  }
0x8e: {  	[sflag:s18] =	ssyncadd.s32 $0xFFFFC000  }
0x8f: {  	v2 =	vld [tilespmem:$0x180];
	_ =	sdelay $0x7  }
0x90: {  	[tilespmem:v2+s6+$0x0] =	vst.idx.add.f32.msk $0xffff, v1  }
0x91: {  	v2 =	vld [tilespmem:$0x190];
	_ =	sdelay $0x7  }
0x92: {  	[tilespmem:v2+s6+$0x0] =	vst.idx.add.f32.msk $0xffff, v1  }
0x93: {  	v2 =	vld [tilespmem:$0x1A0];
	_ =	sdelay $0x7  }
0x94: {  	[tilespmem:v2+s6+$0x0] =	vst.idx.add.f32.msk $0xffff, v1  }
0x95: {  	v2 =	vld [tilespmem:$0x1B0];
	_ =	sdelay $0x7  }
0x96: {  	[tilespmem:v2+s6+$0x0] =	vst.idx.add.f32.msk $0xffff, v1  }
0x97: {  	v2 =	vld [tilespmem:$0x1C0];
	_ =	sdelay $0x7  }
0x98: {  	[tilespmem:v2+s6+$0x0] =	vst.idx.add.f32.msk $0xffff, v1  }
0x99: {  	v2 =	vld [tilespmem:$0x1D0];
	_ =	sdelay $0x7  }
0x9a: {  	[tilespmem:v2+s6+$0x0] =	vst.idx.add.f32.msk $0xffff, v1  }
0x9b: {  	v2 =	vld [tilespmem:$0x1E0];
	_ =	sdelay $0x7  }
0x9c: {  	[tilespmem:v2+s6+$0x0] =	vst.idx.add.f32.msk $0xffff, v1  }
0x9d: {  	v2 =	vld [tilespmem:$0x1F0];
	_ =	sdelay $0x2  }
0x9e: {  	p0 =	sne.s32 s9, $0x4C0  }
.Ltmp1:
0x9f: {  	_ = 	snop;
	(pc) =	sbr.rel @p0 .LBB2_4-.Ltmp1, $2  }
0xa0: {  	_ =	sdelay $0x2  }
0xa1: {  	s9 =	sadd.s32 $0x20, s9;
	[tilespmem:v2+s6+$0x0] =	vst.idx.add.f32.msk $0xffff, v1  }
0xa2: {  	[tilespmem:s2], [sflag:$0x3] =	stream.linear.gather [hbm4b:s14+s1], $0x80, $0x38;
	[tilespmem:$0x1EA00] =	vst v63  }
0xa3: {  	_ =	swait.ge [sflag:s18], $0x80  }
0xa4: {  	[sflag:s18] =	ssyncset.done $0x0  }
0xa5: {  	[sflag:s18] =	ssyncadd.s32 $0xFFFFFF80  }
0xa6: {  	[tilespmem:s3], [sflag:$0x3] =	stream.linear.gather [hbm4b:s15+s1], $0x80, $0x38;
	[tilespmem:$0x1EA00] =	vst v63  }
0xa7: {  	_ =	swait.ge [sflag:s18], $0x80  }
0xa8: {  	[sflag:s18] =	ssyncset.done $0x0  }
0xa9: {  	[sflag:s18] =	ssyncadd.s32 $0xFFFFFF80  }
0xaa: {  	[tilespmem:s4], [sflag:$0x2] =	stream.indirect.gather [hbm4b:s19+s0], $0x80, s2, s0, $0xb8;
	[tilespmem:$0x1EA00] =	vst v63  }
0xab: {  	_ =	swait.ge [sflag:s5], $0x4000  }
0xac: {  	[sflag:s5] =	ssyncset.done $0x0  }
0xad: {  	[sflag:s5] =	ssyncadd.s32 $0xFFFFC000  }
0xae: {  	[spmem:s20] =	stream.indirect.scatter.add.f32 [tilespmem:s31], [sflag:$0x3], $0x80, s0, s0, $0xb8;
	[tilespmem:$0x1EA00] =	vst v63  }
0xaf: {  	_ =	swait.ge [sflag:s18], $0x4000  }
0xb0: {  	[sflag:s18] =	ssyncset.done $0x0  }
0xb1: {  	[sflag:s18] =	ssyncadd.s32 $0xFFFFC000  }
0xb2: {  	v2 =	vld [tilespmem:$0x80];
	_ =	sdelay $0x7  }
0xb3: {  	[tilespmem:v2+s6+$0x0] =	vst.idx.add.f32.msk $0xffff, v1  }
0xb4: {  	v2 =	vld [tilespmem:$0x90];
	_ =	sdelay $0x7  }
0xb5: {  	[tilespmem:v2+s6+$0x0] =	vst.idx.add.f32.msk $0xffff, v1  }
0xb6: {  	v2 =	vld [tilespmem:$0xA0];
	_ =	sdelay $0x7  }
0xb7: {  	[tilespmem:v2+s6+$0x0] =	vst.idx.add.f32.msk $0xffff, v1  }
0xb8: {  	v2 =	vld [tilespmem:$0xB0];
	_ =	sdelay $0x7  }
0xb9: {  	[tilespmem:v2+s6+$0x0] =	vst.idx.add.f32.msk $0xffff, v1  }
0xba: {  	v2 =	vld [tilespmem:$0xC0];
	_ =	sdelay $0x7  }
0xbb: {  	[tilespmem:v2+s6+$0x0] =	vst.idx.add.f32.msk $0xffff, v1  }
0xbc: {  	v2 =	vld [tilespmem:$0xD0];
	_ =	sdelay $0x7  }
0xbd: {  	[tilespmem:v2+s6+$0x0] =	vst.idx.add.f32.msk $0xffff, v1  }
0xbe: {  	v2 =	vld [tilespmem:$0xE0];
	_ =	sdelay $0x7  }
0xbf: {  	[tilespmem:v2+s6+$0x0] =	vst.idx.add.f32.msk $0xffff, v1  }
0xc0: {  	v2 =	vld [tilespmem:$0xF0];
	_ =	sdelay $0x7  }
0xc1: {  	[tilespmem:v2+s6+$0x0] =	vst.idx.add.f32.msk $0xffff, v1  }
0xc2: {  	_ =	swait.ge [sflag:s7], $0x4000  }
0xc3: {  	[sflag:s7] =	ssyncset.done $0x0  }
0xc4: {  	[sflag:s7] =	ssyncadd.s32 $0xFFFFC000  }
0xc5: {  	[spmem:s20] =	stream.indirect.scatter.add.f32 [tilespmem:s4], [sflag:$0x3], $0x80, s3, s0, $0xb8;
	[tilespmem:$0x1EA00] =	vst v63  }
0xc6: {  	_ =	swait.ge [sflag:s18], $0x4000  }
0xc7: {  	[sflag:s18] =	ssyncset.done $0x0  }
0xc8: {  	[sflag:s18] =	ssyncadd.s32 $0xFFFFC000  }
0xc9: {  	v2 =	vld [tilespmem:$0x180];
	_ =	sdelay $0x7  }
0xca: {  	[tilespmem:v2+s6+$0x0] =	vst.idx.add.f32.msk $0xffff, v1  }
0xcb: {  	v2 =	vld [tilespmem:$0x190];
	_ =	sdelay $0x7  }
0xcc: {  	[tilespmem:v2+s6+$0x0] =	vst.idx.add.f32.msk $0xffff, v1  }
0xcd: {  	v2 =	vld [tilespmem:$0x1A0];
	_ =	sdelay $0x7  }
0xce: {  	[tilespmem:v2+s6+$0x0] =	vst.idx.add.f32.msk $0xffff, v1  }
0xcf: {  	v2 =	vld [tilespmem:$0x1B0];
	_ =	sdelay $0x7  }
0xd0: {  	[tilespmem:v2+s6+$0x0] =	vst.idx.add.f32.msk $0xffff, v1  }
0xd1: {  	v2 =	vld [tilespmem:$0x1C0];
	_ =	sdelay $0x7  }
0xd2: {  	[tilespmem:v2+s6+$0x0] =	vst.idx.add.f32.msk $0xffff, v1  }
0xd3: {  	v2 =	vld [tilespmem:$0x1D0];
	_ =	sdelay $0x7  }
0xd4: {  	[tilespmem:v2+s6+$0x0] =	vst.idx.add.f32.msk $0xffff, v1  }
0xd5: {  	v2 =	vld [tilespmem:$0x1E0];
	_ =	sdelay $0x7  }
0xd6: {  	[tilespmem:v2+s6+$0x0] =	vst.idx.add.f32.msk $0xffff, v1  }
0xd7: {  	v2 =	vld [tilespmem:$0x1F0];
	_ =	sdelay $0x7  }
0xd8: {  	[tilespmem:v2+s6+$0x0] =	vst.idx.add.f32.msk $0xffff, v1  }
0xd9: {  	[bflag:$0x0] =	sbarrier.arrive $0xFFFF  }
0xda: {  	[tilespmem:s31], [sflag:$0x3] =	stream.linear.gather [spmem:s24], $0x4000, $0x38;
	[tilespmem:$0x1EA00] =	vst v63  }
0xdb: {  	_ =	swait.ge [sflag:s18], $0x4000  }
0xdc: {  	[sflag:s18] =	ssyncset.done $0x0  }
0xdd: {  	s9 =	rddreg [dreg:$0xb];
	[sflag:s18] =	ssyncadd.s32 $0xFFFFC000  }
0xde: {  	[hbm4b:s9+s1] =	stream.linear.scatter [tilespmem:s31], [sflag:$0x3], $0x4000, $0x38;
	[tilespmem:$0x1EA00] =	vst v63  }
0xdf: {  	_ =	swait.ge [sflag:s18], $0x4000  }
0xe0: {  	[sflag:s18] =	ssyncset.done $0x0  }
0xe1: {  	[sflag:s18] =	ssyncadd.s32 $0xFFFFC000  }
0xe2: {  	[tilespmem:s31], [sflag:$0x3] =	stream.linear.gather [spmem:s26], $0x4000, $0x38;
	[tilespmem:$0x1EA00] =	vst v63  }
0xe3: {  	_ =	swait.ge [sflag:s18], $0x4000  }
0xe4: {  	[sflag:s18] =	ssyncset.done $0x0  }
0xe5: {  	s10 =	rddreg [dreg:$0xc];
	[sflag:s18] =	ssyncadd.s32 $0xFFFFC000  }
0xe6: {  	[hbm4b:s10+s1] =	stream.linear.scatter [tilespmem:s31], [sflag:$0x3], $0x4000, $0x38;
	[tilespmem:$0x1EA00] =	vst v63  }
0xe7: {  	_ =	swait.ge [sflag:s18], $0x4000  }
0xe8: {  	[sflag:s18] =	ssyncset.done $0x0  }
0xe9: {  	[sflag:s18] =	ssyncadd.s32 $0xFFFFC000  }
0xea: {  	[tilespmem:s31], [sflag:$0x3] =	stream.linear.gather [spmem:s28], $0x4000, $0x38;
	[tilespmem:$0x1EA00] =	vst v63  }
0xeb: {  	_ =	swait.ge [sflag:s18], $0x4000  }
0xec: {  	[sflag:s18] =	ssyncset.done $0x0  }
0xed: {  	[sflag:s18] =	ssyncadd.s32 $0xFFFFC000  }
0xee: {  	[hbm4b:s11+s1] =	stream.linear.scatter [tilespmem:s31], [sflag:$0x3], $0x4000, $0x38;
	[tilespmem:$0x1EA00] =	vst v63  }
0xef: {  	_ =	swait.ge [sflag:s18], $0x4000  }
0xf0: {  	[sflag:s18] =	ssyncset.done $0x0  }
0xf1: {  	[sflag:s18] =	ssyncadd.s32 $0xFFFFC000  }
0xf2: {  	[tilespmem:s31], [sflag:$0x3] =	stream.linear.gather [spmem:s29], $0x4000, $0x38;
	[tilespmem:$0x1EA00] =	vst v63  }
0xf3: {  	_ =	swait.ge [sflag:s18], $0x4000  }
0xf4: {  	[sflag:s18] =	ssyncset.done $0x0  }
0xf5: {  	[sflag:s18] =	ssyncadd.s32 $0xFFFFC000  }
0xf6: {  	[hbm4b:s12+s1] =	stream.linear.scatter [tilespmem:s31], [sflag:$0x3], $0x4000, $0x38;
	[tilespmem:$0x1EA00] =	vst v63  }
0xf7: {  	_ =	swait.ge [sflag:s18], $0x4000  }
0xf8: {  	[sflag:s18] =	ssyncset.done $0x0  }
0xf9: {  	[sflag:s18] =	ssyncadd.s32 $0xFFFFC000  }
0xfa: {  	[tilespmem:s31], [sflag:$0x3] =	stream.linear.gather [spmem:s30], $0x4000, $0x38;
	[tilespmem:$0x1EA00] =	vst v63  }
0xfb: {  	_ =	swait.ge [sflag:s18], $0x4000  }
0xfc: {  	[sflag:s18] =	ssyncset.done $0x0  }
0xfd: {  	[sflag:s18] =	ssyncadd.s32 $0xFFFFC000  }
0xfe: {  	[hbm4b:s13+s1] =	stream.linear.scatter [tilespmem:s31], [sflag:$0x3], $0x4000, $0x38;
	[tilespmem:$0x1EA00] =	vst v63  }
0xff: {  	s8 =	sadd.s32 $0x1, s8;
	_ =	swait.ge [sflag:s18], $0x4000  }
0x100: {  	p0 =	sne.s32 s8, s25;
	[sflag:s18] =	ssyncset.done $0x0  }
.Ltmp2:
0x101: {  	s10 =	simm.s32 $0x400;
	[sflag:s18] =	ssyncadd.s32 $0xFFFFC000;
	(pc) =	sbr.rel @p0 .LBB2_1-.Ltmp2, $4  }
0x102: {  	[hbm4b:s23+s0] =	stream.strided.scatter [tilespmem:s6], [sflag:$0x3], $0x2800, s10, s0, $0x38;
	[tilespmem:$0x1EA00] =	vst v63  }
0x103: {  	_ =	swait.ge [sflag:s18], $0x2800  }
0x104: {  	[sflag:s18] =	ssyncset.done $0x0  }
0x105: {  	[sflag:s18] =	ssyncadd.s32 $0xFFFFD800  }
0x106: {  	_ =	sfence.sel $0x180000  }
0x107: {  	[bflag:$0x0] =	sbarrier.arrive $0xFFFF  }
0x108: {  	_ =	strace $0x90000047  }
0x109: {  	s0 =	stileid.u32;
	[bflag:$0x2] =	sbarrier.arrive $0xFFFF  }
0x10a: {  	p0 =	sne.s32 s0, $0x0;
	s0 =	rddreg [dreg:$0x3]  }
0x10b: {  	s0 =	sadd.s32 @!p0 $0x100000, s0  }
0x10c: {  	[sflag:s0] =	ssyncadd.tile.s32 @!p0 $0x1;
	_ =	shalt  }
.Lfunc_end2:
_tile_overlayer_lowered:
.L_overlay_start_2:
0x10d: {  	(tag) =	ssettag $0x2  }
0x10e: {  	s0 =	rddreg [dreg:$0x0];
	s2 =	stileid.u32  }
0x10f: {  	s1 =	rddreg [dreg:$0x1];
	p0 =	sne.s32 s2, $0x0  }
0x110: {  	s3 =	rddreg [dreg:$0x2];
	[bflag:$0x3] =	sbarrier.arrive $0xFFFF;
	s2 =	simm.s32 @!p0 $0x1C03  }
0x111: {  	[timem:s3], [sflag:s2] =	dma.local @!p0 [hbm:s0], s1  }
0x112: {  	s0 =	simm.s32 @!p0 $0x3  }
0x113: {  	_ =	swait.ge @!p0 [sflag:s0], s1  }
0x114: {  	s1 =	ssub.s32 @!p0 $0x0, s1;
	[sflag:s0] =	ssyncset.done @!p0 $0x0  }
0x115: {  	[sflag:s0] =	ssyncadd.s32 @!p0 s1  }
0x116: {  	[bflag:$0x3] =	sbarrier.arrive $0xFFFF  }
0x117: {  	_ =	shalt  }

</sc_bundles>
